<compile_context>
chip_gen: v7x
topology: tpu7x:2x2x1
jax: 0.10.2.dev20260603
libtpu: 0.0.44.dev20260713+nightly
codegen_flags: <defaults>
</compile_context>

<pallas_src>
import functools

import jax
import jax.numpy as jnp
from jax import lax
from jax.experimental import pallas as pl
from jax.experimental.pallas import tpu as pltpu
from jax.experimental.pallas import tpu_sc as plsc

_INFO = plsc.get_sparse_core_info()
_NC, _NS, _L = _INFO.num_cores, _INFO.num_subcores, _INFO.num_lanes
_NW = _NC * _NS


def _make_sc_kernel(n_rows, chunk, seq, dim):
    n_chunks_total = n_rows // chunk
    chunks_per_w = n_chunks_total // _NW
    pe_steps = seq // chunk
    mesh = plsc.VectorSubcoreMesh(core_axis_name="c", subcore_axis_name="s")

    half = chunks_per_w // 2

    @functools.partial(
        pl.kernel,
        mesh=mesh,
        compiler_params=pltpu.CompilerParams(use_tc_tiling_on_sc=False),
        out_type=jax.ShapeDtypeStruct((n_chunks_total, chunk, dim), jnp.float32),
        scratch_types=[
            pltpu.VMEM((chunks_per_w, chunk), jnp.int32),
            pltpu.VMEM((seq, dim), jnp.float32),
            pltpu.VMEM((chunk, dim), jnp.float32),
            pltpu.VMEM((chunk, dim), jnp.float32),
            pltpu.VMEM((chunk, dim), jnp.float32),
            pltpu.VMEM((chunk, dim), jnp.float32),
            pltpu.SemaphoreType.DMA,
            pltpu.SemaphoreType.DMA,
            pltpu.SemaphoreType.DMA,
            pltpu.SemaphoreType.DMA,
        ],
    )
    def k(idx_hbm, pe_hbm, table_hbm, out_hbm,
          idx_v, pe_v, g0, g1, s0, s1, gs0, gs1, ss0, ss1):
        wid = lax.axis_index("s") * _NC + lax.axis_index("c")
        cbase = wid * chunks_per_w
        pltpu.sync_copy(idx_hbm.at[pl.ds(cbase, chunks_per_w)], idx_v)
        pltpu.sync_copy(pe_hbm, pe_v)

        def gather_start(c, buf, sem):
            pltpu.async_copy(table_hbm.at[idx_v.at[c]], buf, sem)

        def gather_wait(buf, sem):
            pltpu.make_async_copy(table_hbm.at[idx_v.at[0]], buf, sem).wait()

        def store_wait(buf, sem):
            pltpu.make_async_copy(buf, out_hbm.at[cbase], sem).wait()

        def add(src, dst, po):
            @plsc.parallel_loop(0, chunk, unroll=10)
            def _(r):
                for j in range(dim // _L):
                    s = pl.ds(j * _L, _L)
                    dst[r, s] = src[r, s] + pe_v[po + r, s]

        gather_start(0, g0, gs0)
        gather_start(1, g1, gs1)

        def pair_body(i, _):
            for b, (g, s, gs, ss) in enumerate(
                ((g0, s0, gs0, ss0), (g1, s1, gs1, ss1))):
                c = 2 * i + b
                gather_wait(g, gs)

                @pl.when(i >= 1)
                def _():
                    store_wait(s, ss)

                add(g, s, lax.rem(c, pe_steps) * chunk)

                @pl.when(i < half - 1)
                def _():
                    gather_start(c + 2, g, gs)

                pltpu.async_copy(s, out_hbm.at[cbase + c], ss)
            return 0

        lax.fori_loop(0, half, pair_body, 0)
        store_wait(s0, ss0)
        store_wait(s1, ss1)

    return k


def kernel(x, table):
    b, s = x.shape
    v, d = table.shape
    n_rows = b * s
    chunk = 100

    pos = jnp.arange(s, dtype=jnp.float32)
    pe = jnp.tile(jnp.stack([jnp.sin(pos), jnp.cos(pos)], axis=1), (1, d // 2))

    idx = x.reshape(n_rows // chunk, chunk).astype(jnp.int32)
    out = _make_sc_kernel(n_rows, chunk, s, d)(idx, pe, table)
    return out.reshape(b, s, d)

# --- scband reference (transcript-rebuilt; emitter-appended) ---
"""Pipeline reference for scband-transformer-embedding-33182917329160 (READ-ONLY COPY).

The authoritative reference and input builder live on the scoring server;
editing this copy changes nothing except your own understanding.
"""

import jax, jax.numpy as jnp
import numpy as np

VOCAB = 1000000
DIM = 64
MAX_SEQ = 2048
BATCH = 1024
SEQ = 200


def _positional_embeddings(max_sequence, dimension):
    # Faithful to the original math: 1000 ** (indices // dimension) == 1 for all
    # indices < dimension (integer division), so divisor is 1.
    positions = jnp.arange(0, max_sequence, dtype=jnp.float32)
    indices = jnp.arange(0, dimension, 2)
    div = jnp.power(1000.0, (indices // dimension).astype(jnp.float32))
    pe = jnp.zeros((max_sequence, dimension), dtype=jnp.float32)
    pe = pe.at[:, 0::2].set(jnp.sin(positions[:, None] / div[None, :]))
    pe = pe.at[:, 1::2].set(jnp.cos(positions[:, None] / div[None, :]))
    return pe


def setup_inputs(seed: int = 0) -> dict:
    key = jax.random.key(seed)
    k_idx, k_tab = jax.random.split(key)
    x = jax.random.randint(k_idx, (BATCH, SEQ), 0, VOCAB, dtype=jnp.int64)
    # Learned token embedding table (nn.Embedding weight)
    table = jax.random.normal(k_tab, (VOCAB, DIM), dtype=jnp.float32)
    return {"x": x, "table": table}


def reference(x, table):
    # TokenEmbeddings: embedding lookup
    token_embeddings = jnp.take(table, x, axis=0)  # [B, S, D]
    # PositionalEmbddings: precomputed sin/cos matrix sliced to seq_len
    seq_len = x.shape[1]
    pe = _positional_embeddings(MAX_SEQ, DIM)
    position_embeddings = pe[:seq_len, :]
    # Dropout layers are identity in eval mode
    return token_embeddings + position_embeddings[None, :, :]

if __name__ == "__main__":
    import jax
    _d = setup_inputs()
    print(jax.jit(kernel)(*tuple(_d.values())))

</pallas_src>

<mosaic_0001>
#map = affine_map<(d0, d1) -> (0, 0)>
#map1 = affine_map<(d0, d1) -> (0, 0, 0)>
module attributes {stable_mosaic.version = 14 : i64} {
  func.func @k(%arg0: i32, %arg1: i32, %arg2: memref<2048x100xi32, #tpu.memory_space<hbm>>, %arg3: memref<200x64xf32, #tpu.memory_space<hbm>>, %arg4: memref<1000000x64xf32, #tpu.memory_space<hbm>>, %arg5: memref<2048x100x64xf32, #tpu.memory_space<hbm>>, %arg6: memref<64x100xi32, #tpu.memory_space<vmem>>, %arg7: memref<200x64xf32, #tpu.memory_space<vmem>>, %arg8: memref<100x64xf32, #tpu.memory_space<vmem>>, %arg9: memref<100x64xf32, #tpu.memory_space<vmem>>, %arg10: memref<100x64xf32, #tpu.memory_space<vmem>>, %arg11: memref<100x64xf32, #tpu.memory_space<vmem>>, %arg12: memref<!tpu.dma_semaphore, #tpu.memory_space<semaphore_mem>>, %arg13: memref<!tpu.dma_semaphore, #tpu.memory_space<semaphore_mem>>, %arg14: memref<!tpu.dma_semaphore, #tpu.memory_space<semaphore_mem>>, %arg15: memref<!tpu.dma_semaphore, #tpu.memory_space<semaphore_mem>>) attributes {dimension_semantics = [#tpu.dimension_semantics<core_parallel>, #tpu.dimension_semantics<subcore_parallel>], iteration_bounds = array<i64: 2, 16>, scalar_prefetch = 0 : i64, scratch_operands = 10 : i64, tpu.core_type = #tpu.core_type<sc_vector_subcore>, window_params = [{transform_indices = #map}, {transform_indices = #map}, {transform_indices = #map}, {transform_indices = #map1}]} {
    %mul3A = arith.constant 2 : i32
    %mul3A_0 = arith.muli %arg1, %mul3A : i32
    %add3A = arith.addi %mul3A_0, %arg0 : i32
    %mul3A_1 = arith.constant 64 : i32
    %mul3A_2 = arith.muli %add3A, %mul3A_1 : i32
    "tpu.region"() ({
      %run_scoped3A = tpu.sem_alloc : memref<!tpu.dma_semaphore, #tpu.memory_space<semaphore_mem>>
      %dma_start3A_37 = arith.constant 0 : i32
      %dma_start3A_38 = tpu.memref_slice %arg2[%mul3A_2, %dma_start3A_37] : memref<2048x100xi32, #tpu.memory_space<hbm>> -> memref<64x100xi32, #tpu.memory_space<hbm>>
      %dma_start3A_39 = arith.constant 0 : i32
      %dma_start3A_40 = tpu.memref_slice %arg2[%mul3A_2, %dma_start3A_39] : memref<2048x100xi32, #tpu.memory_space<hbm>> -> memref<64x100xi32, #tpu.memory_space<hbm>>
      tpu.enqueue_dma source(%dma_start3A_40 : memref<64x100xi32, #tpu.memory_space<hbm>>) target(%arg6 : memref<64x100xi32, #tpu.memory_space<vmem>>) target_semaphore(%run_scoped3A : memref<!tpu.dma_semaphore, #tpu.memory_space<semaphore_mem>>)
      %dma_wait3A_41 = arith.constant 0 : i32
      %dma_wait3A_42 = tpu.memref_slice %arg2[%mul3A_2, %dma_wait3A_41] : memref<2048x100xi32, #tpu.memory_space<hbm>> -> memref<64x100xi32, #tpu.memory_space<hbm>>
      %dma_wait3A_43 = arith.constant 0 : i32
      %dma_wait3A_44 = tpu.memref_slice %arg2[%mul3A_2, %dma_wait3A_43] : memref<2048x100xi32, #tpu.memory_space<hbm>> -> memref<64x100xi32, #tpu.memory_space<hbm>>
      tpu.wait_dma2 semaphore(%run_scoped3A : memref<!tpu.dma_semaphore, #tpu.memory_space<semaphore_mem>>) src(%dma_wait3A_44 : memref<64x100xi32, #tpu.memory_space<hbm>>) dst(%arg6 : memref<64x100xi32, #tpu.memory_space<vmem>>)
      tpu.yield
    }) : () -> ()
    "tpu.region"() ({
      %run_scoped3A = tpu.sem_alloc : memref<!tpu.dma_semaphore, #tpu.memory_space<semaphore_mem>>
      tpu.enqueue_dma source(%arg3 : memref<200x64xf32, #tpu.memory_space<hbm>>) target(%arg7 : memref<200x64xf32, #tpu.memory_space<vmem>>) target_semaphore(%run_scoped3A : memref<!tpu.dma_semaphore, #tpu.memory_space<semaphore_mem>>)
      tpu.wait_dma2 semaphore(%run_scoped3A : memref<!tpu.dma_semaphore, #tpu.memory_space<semaphore_mem>>) src(%arg3 : memref<200x64xf32, #tpu.memory_space<hbm>>) dst(%arg7 : memref<200x64xf32, #tpu.memory_space<vmem>>)
      tpu.yield
    }) : () -> ()
    %dma_start3A = arith.constant 0 : i32
    %dma_start3A_3 = arith.constant 0 : i32
    %dma_start3A_4 = tpu.memref_slice %arg6[%dma_start3A, %dma_start3A_3] : memref<64x100xi32, #tpu.memory_space<vmem>> -> memref<1x100xi32, #tpu.memory_space<vmem>>
    %dma_start3A_5 = tpu.memref_squeeze %dma_start3A_4 : memref<1x100xi32, #tpu.memory_space<vmem>> -> memref<100xi32, #tpu.memory_space<vmem>>
    %dma_start3A_6 = arith.constant 0 : i32
    %dma_start3A_7 = arith.constant 0 : i32
    %dma_start3A_8 = tpu.memref_slice %arg4[%dma_start3A_6, %dma_start3A_7] : memref<1000000x64xf32, #tpu.memory_space<hbm>> -> memref<1000000x64xf32, #tpu.memory_space<hbm>>
    tpu.enqueue_indirect_dma source(%dma_start3A_8 : memref<1000000x64xf32, #tpu.memory_space<hbm>>) target(%arg8 : memref<100x64xf32, #tpu.memory_space<vmem>>) offsets(%dma_start3A_5 : memref<100xi32, #tpu.memory_space<vmem>>) semaphore(%arg12 : memref<!tpu.dma_semaphore, #tpu.memory_space<semaphore_mem>>)
    %dma_start3A_9 = arith.constant 1 : i32
    %dma_start3A_10 = arith.constant 0 : i32
    %dma_start3A_11 = tpu.memref_slice %arg6[%dma_start3A_9, %dma_start3A_10] : memref<64x100xi32, #tpu.memory_space<vmem>> -> memref<1x100xi32, #tpu.memory_space<vmem>>
    %dma_start3A_12 = tpu.memref_squeeze %dma_start3A_11 : memref<1x100xi32, #tpu.memory_space<vmem>> -> memref<100xi32, #tpu.memory_space<vmem>>
    %dma_start3A_13 = arith.constant 0 : i32
    %dma_start3A_14 = arith.constant 0 : i32
    %dma_start3A_15 = tpu.memref_slice %arg4[%dma_start3A_13, %dma_start3A_14] : memref<1000000x64xf32, #tpu.memory_space<hbm>> -> memref<1000000x64xf32, #tpu.memory_space<hbm>>
    tpu.enqueue_indirect_dma source(%dma_start3A_15 : memref<1000000x64xf32, #tpu.memory_space<hbm>>) target(%arg9 : memref<100x64xf32, #tpu.memory_space<vmem>>) offsets(%dma_start3A_12 : memref<100xi32, #tpu.memory_space<vmem>>) semaphore(%arg13 : memref<!tpu.dma_semaphore, #tpu.memory_space<semaphore_mem>>)
    %scan3A = arith.constant 0 : i32
    %scan3A_16 = arith.constant 0 : i32
    %scan3A_17 = arith.constant 32 : i32
    %scan3A_18 = arith.addi %scan3A_16, %scan3A_17 : i32
    %scan3A_19 = arith.constant 1 : i32
    %scan3A_20 = scf.for %scan3A_37 = %scan3A_16 to %scan3A_18 step %scan3A_19 iter_args(%scan3A_38 = %scan3A) -> (i32)  : i32 {
      %mul3A_39 = arith.constant 2 : i32
      %mul3A_40 = arith.muli %mul3A_39, %scan3A_37 : i32
      %add3A_41 = arith.constant 0 : i32
      %add3A_42 = arith.addi %mul3A_40, %add3A_41 : i32
      %dma_wait3A_43 = arith.constant 0 : i32
      %dma_wait3A_44 = arith.constant 0 : i32
      %dma_wait3A_45 = tpu.memref_slice %arg6[%dma_wait3A_43, %dma_wait3A_44] : memref<64x100xi32, #tpu.memory_space<vmem>> -> memref<1x100xi32, #tpu.memory_space<vmem>>
      %dma_wait3A_46 = tpu.memref_squeeze %dma_wait3A_45 : memref<1x100xi32, #tpu.memory_space<vmem>> -> memref<100xi32, #tpu.memory_space<vmem>>
      %dma_wait3A_47 = arith.constant 0 : i32
      %dma_wait3A_48 = arith.constant 0 : i32
      %dma_wait3A_49 = tpu.memref_slice %arg4[%dma_wait3A_47, %dma_wait3A_48] : memref<1000000x64xf32, #tpu.memory_space<hbm>> -> memref<1000000x64xf32, #tpu.memory_space<hbm>>
      tpu.wait_indirect_dma semaphore(%arg12 : memref<!tpu.dma_semaphore, #tpu.memory_space<semaphore_mem>>) src(%dma_wait3A_49 : memref<1000000x64xf32, #tpu.memory_space<hbm>>) dst(%arg8 : memref<100x64xf32, #tpu.memory_space<vmem>>)
      %ge3A = arith.constant 1 : i32
      %ge3A_50 = arith.cmpi sge, %scan3A_37, %ge3A : i32
      %convert_element_type3A = arith.extui %ge3A_50 : i1 to i32
      %cond3A = arith.constant 0 : i32
      %cond3A_51 = arith.cmpi ne, %convert_element_type3A, %cond3A : i32
      scf.if %cond3A_51 {
        %dma_wait3A_108 = arith.constant 0 : i32
        %dma_wait3A_109 = arith.constant 0 : i32
        %dma_wait3A_110 = tpu.memref_slice %arg5[%mul3A_2, %dma_wait3A_108, %dma_wait3A_109] : memref<2048x100x64xf32, #tpu.memory_space<hbm>> -> memref<1x100x64xf32, #tpu.memory_space<hbm>>
        %dma_wait3A_111 = tpu.memref_squeeze %dma_wait3A_110 : memref<1x100x64xf32, #tpu.memory_space<hbm>> -> memref<100x64xf32, #tpu.memory_space<hbm>>
        %dma_wait3A_112 = arith.constant 0 : i32
        %dma_wait3A_113 = arith.constant 0 : i32
        %dma_wait3A_114 = tpu.memref_slice %arg5[%mul3A_2, %dma_wait3A_112, %dma_wait3A_113] : memref<2048x100x64xf32, #tpu.memory_space<hbm>> -> memref<1x100x64xf32, #tpu.memory_space<hbm>>
        %dma_wait3A_115 = tpu.memref_squeeze %dma_wait3A_114 : memref<1x100x64xf32, #tpu.memory_space<hbm>> -> memref<100x64xf32, #tpu.memory_space<hbm>>
        tpu.wait_dma2 semaphore(%arg14 : memref<!tpu.dma_semaphore, #tpu.memory_space<semaphore_mem>>) src(%arg10 : memref<100x64xf32, #tpu.memory_space<vmem>>) dst(%dma_wait3A_115 : memref<100x64xf32, #tpu.memory_space<hbm>>)
      } else {
      }
      %rem3A = arith.constant 2 : i32
      %rem3A_52 = arith.remsi %add3A_42, %rem3A : i32
      %mul3A_53 = arith.constant 100 : i32
      %mul3A_54 = arith.muli %rem3A_52, %mul3A_53 : i32
      %parallel_loop3A = arith.constant 0 : i32
      %parallel_loop3A_55 = arith.constant 100 : i32
      %parallel_loop3A_56 = arith.constant 1 : i32
      scf.for %parallel_loop3A_108 = %parallel_loop3A to %parallel_loop3A_55 step %parallel_loop3A_56  : i32 {
        %parallel_loop3A_109 = arith.index_cast %parallel_loop3A_108 : i32 to index
        %parallel_loop3A_110 = arith.constant 0 : index
        %parallel_loop3A_111 = tpu.vector_load %arg8[%parallel_loop3A_109, %parallel_loop3A_110] {strides = array<i32>} : memref<100x64xf32, #tpu.memory_space<vmem>>, vector<1x16xf32>,
        %parallel_loop3A_112 = vector.shape_cast %parallel_loop3A_111 : vector<1x16xf32> to vector<16xf32>
        %parallel_loop3A_113 = arith.addi %mul3A_54, %parallel_loop3A_108 : i32
        %parallel_loop3A_114 = arith.index_cast %parallel_loop3A_113 : i32 to index
        %parallel_loop3A_115 = arith.constant 0 : index
        %parallel_loop3A_116 = tpu.vector_load %arg7[%parallel_loop3A_114, %parallel_loop3A_115] {strides = array<i32>} : memref<200x64xf32, #tpu.memory_space<vmem>>, vector<1x16xf32>,
        %parallel_loop3A_117 = vector.shape_cast %parallel_loop3A_116 : vector<1x16xf32> to vector<16xf32>
        %parallel_loop3A_118 = arith.addf %parallel_loop3A_112, %parallel_loop3A_117 : vector<16xf32>
        %parallel_loop3A_119 = arith.index_cast %parallel_loop3A_108 : i32 to index
        %parallel_loop3A_120 = arith.constant 0 : index
        %parallel_loop3A_121 = tpu.vector_load %arg10[%parallel_loop3A_119, %parallel_loop3A_120] {strides = array<i32>} : memref<100x64xf32, #tpu.memory_space<vmem>>, vector<1x16xf32>,
        %parallel_loop3A_122 = vector.shape_cast %parallel_loop3A_121 : vector<1x16xf32> to vector<16xf32>
        %parallel_loop3A_123 = vector.shape_cast %parallel_loop3A_118 : vector<16xf32> to vector<1x16xf32>
        tpu.vector_store %arg10[%parallel_loop3A_119, %parallel_loop3A_120], %parallel_loop3A_123 {strides = array<i32>} : memref<100x64xf32, #tpu.memory_space<vmem>>, vector<1x16xf32>,
        %parallel_loop3A_124 = arith.index_cast %parallel_loop3A_108 : i32 to index
        %parallel_loop3A_125 = arith.constant 16 : index
        %parallel_loop3A_126 = tpu.vector_load %arg8[%parallel_loop3A_124, %parallel_loop3A_125] {strides = array<i32>} : memref<100x64xf32, #tpu.memory_space<vmem>>, vector<1x16xf32>,
        %parallel_loop3A_127 = vector.shape_cast %parallel_loop3A_126 : vector<1x16xf32> to vector<16xf32>
        %parallel_loop3A_128 = arith.addi %mul3A_54, %parallel_loop3A_108 : i32
        %parallel_loop3A_129 = arith.index_cast %parallel_loop3A_128 : i32 to index
        %parallel_loop3A_130 = arith.constant 16 : index
        %parallel_loop3A_131 = tpu.vector_load %arg7[%parallel_loop3A_129, %parallel_loop3A_130] {strides = array<i32>} : memref<200x64xf32, #tpu.memory_space<vmem>>, vector<1x16xf32>,
        %parallel_loop3A_132 = vector.shape_cast %parallel_loop3A_131 : vector<1x16xf32> to vector<16xf32>
        %parallel_loop3A_133 = arith.addf %parallel_loop3A_127, %parallel_loop3A_132 : vector<16xf32>
        %parallel_loop3A_134 = arith.index_cast %parallel_loop3A_108 : i32 to index
        %parallel_loop3A_135 = arith.constant 16 : index
        %parallel_loop3A_136 = tpu.vector_load %arg10[%parallel_loop3A_134, %parallel_loop3A_135] {strides = array<i32>} : memref<100x64xf32, #tpu.memory_space<vmem>>, vector<1x16xf32>,
        %parallel_loop3A_137 = vector.shape_cast %parallel_loop3A_136 : vector<1x16xf32> to vector<16xf32>
        %parallel_loop3A_138 = vector.shape_cast %parallel_loop3A_133 : vector<16xf32> to vector<1x16xf32>
        tpu.vector_store %arg10[%parallel_loop3A_134, %parallel_loop3A_135], %parallel_loop3A_138 {strides = array<i32>} : memref<100x64xf32, #tpu.memory_space<vmem>>, vector<1x16xf32>,
        %parallel_loop3A_139 = arith.index_cast %parallel_loop3A_108 : i32 to index
        %parallel_loop3A_140 = arith.constant 32 : index
        %parallel_loop3A_141 = tpu.vector_load %arg8[%parallel_loop3A_139, %parallel_loop3A_140] {strides = array<i32>} : memref<100x64xf32, #tpu.memory_space<vmem>>, vector<1x16xf32>,
        %parallel_loop3A_142 = vector.shape_cast %parallel_loop3A_141 : vector<1x16xf32> to vector<16xf32>
        %parallel_loop3A_143 = arith.addi %mul3A_54, %parallel_loop3A_108 : i32
        %parallel_loop3A_144 = arith.index_cast %parallel_loop3A_143 : i32 to index
        %parallel_loop3A_145 = arith.constant 32 : index
        %parallel_loop3A_146 = tpu.vector_load %arg7[%parallel_loop3A_144, %parallel_loop3A_145] {strides = array<i32>} : memref<200x64xf32, #tpu.memory_space<vmem>>, vector<1x16xf32>,
        %parallel_loop3A_147 = vector.shape_cast %parallel_loop3A_146 : vector<1x16xf32> to vector<16xf32>
        %parallel_loop3A_148 = arith.addf %parallel_loop3A_142, %parallel_loop3A_147 : vector<16xf32>
        %parallel_loop3A_149 = arith.index_cast %parallel_loop3A_108 : i32 to index
        %parallel_loop3A_150 = arith.constant 32 : index
        %parallel_loop3A_151 = tpu.vector_load %arg10[%parallel_loop3A_149, %parallel_loop3A_150] {strides = array<i32>} : memref<100x64xf32, #tpu.memory_space<vmem>>, vector<1x16xf32>,
        %parallel_loop3A_152 = vector.shape_cast %parallel_loop3A_151 : vector<1x16xf32> to vector<16xf32>
        %parallel_loop3A_153 = vector.shape_cast %parallel_loop3A_148 : vector<16xf32> to vector<1x16xf32>
        tpu.vector_store %arg10[%parallel_loop3A_149, %parallel_loop3A_150], %parallel_loop3A_153 {strides = array<i32>} : memref<100x64xf32, #tpu.memory_space<vmem>>, vector<1x16xf32>,
        %parallel_loop3A_154 = arith.index_cast %parallel_loop3A_108 : i32 to index
        %parallel_loop3A_155 = arith.constant 48 : index
        %parallel_loop3A_156 = tpu.vector_load %arg8[%parallel_loop3A_154, %parallel_loop3A_155] {strides = array<i32>} : memref<100x64xf32, #tpu.memory_space<vmem>>, vector<1x16xf32>,
        %parallel_loop3A_157 = vector.shape_cast %parallel_loop3A_156 : vector<1x16xf32> to vector<16xf32>
        %parallel_loop3A_158 = arith.addi %mul3A_54, %parallel_loop3A_108 : i32
        %parallel_loop3A_159 = arith.index_cast %parallel_loop3A_158 : i32 to index
        %parallel_loop3A_160 = arith.constant 48 : index
        %parallel_loop3A_161 = tpu.vector_load %arg7[%parallel_loop3A_159, %parallel_loop3A_160] {strides = array<i32>} : memref<200x64xf32, #tpu.memory_space<vmem>>, vector<1x16xf32>,
        %parallel_loop3A_162 = vector.shape_cast %parallel_loop3A_161 : vector<1x16xf32> to vector<16xf32>
        %parallel_loop3A_163 = arith.addf %parallel_loop3A_157, %parallel_loop3A_162 : vector<16xf32>
        %parallel_loop3A_164 = arith.index_cast %parallel_loop3A_108 : i32 to index
        %parallel_loop3A_165 = arith.constant 48 : index
        %parallel_loop3A_166 = tpu.vector_load %arg10[%parallel_loop3A_164, %parallel_loop3A_165] {strides = array<i32>} : memref<100x64xf32, #tpu.memory_space<vmem>>, vector<1x16xf32>,
        %parallel_loop3A_167 = vector.shape_cast %parallel_loop3A_166 : vector<1x16xf32> to vector<16xf32>
        %parallel_loop3A_168 = vector.shape_cast %parallel_loop3A_163 : vector<16xf32> to vector<1x16xf32>
        tpu.vector_store %arg10[%parallel_loop3A_164, %parallel_loop3A_165], %parallel_loop3A_168 {strides = array<i32>} : memref<100x64xf32, #tpu.memory_space<vmem>>, vector<1x16xf32>,
      } {sc.loop_unroll_factor = 10 : i64, sc.parallel_access}
      %lt3A = arith.constant 31 : i32
      %lt3A_57 = arith.cmpi slt, %scan3A_37, %lt3A : i32
      %convert_element_type3A_58 = arith.extui %lt3A_57 : i1 to i32
      %cond3A_59 = arith.constant 0 : i32
      %cond3A_60 = arith.cmpi ne, %convert_element_type3A_58, %cond3A_59 : i32
      scf.if %cond3A_60 {
        %add3A_108 = arith.constant 2 : i32
        %add3A_109 = arith.addi %add3A_42, %add3A_108 : i32
        %dma_start3A_110 = arith.constant 0 : i32
        %dma_start3A_111 = tpu.memref_slice %arg6[%add3A_109, %dma_start3A_110] : memref<64x100xi32, #tpu.memory_space<vmem>> -> memref<1x100xi32, #tpu.memory_space<vmem>>
        %dma_start3A_112 = tpu.memref_squeeze %dma_start3A_111 : memref<1x100xi32, #tpu.memory_space<vmem>> -> memref<100xi32, #tpu.memory_space<vmem>>
        %dma_start3A_113 = arith.constant 0 : i32
        %dma_start3A_114 = arith.constant 0 : i32
        %dma_start3A_115 = tpu.memref_slice %arg4[%dma_start3A_113, %dma_start3A_114] : memref<1000000x64xf32, #tpu.memory_space<hbm>> -> memref<1000000x64xf32, #tpu.memory_space<hbm>>
        tpu.enqueue_indirect_dma source(%dma_start3A_115 : memref<1000000x64xf32, #tpu.memory_space<hbm>>) target(%arg8 : memref<100x64xf32, #tpu.memory_space<vmem>>) offsets(%dma_start3A_112 : memref<100xi32, #tpu.memory_space<vmem>>) semaphore(%arg12 : memref<!tpu.dma_semaphore, #tpu.memory_space<semaphore_mem>>)
      } else {
      }
      %add3A_61 = arith.addi %mul3A_2, %add3A_42 : i32
      %dma_start3A_62 = arith.constant 0 : i32
      %dma_start3A_63 = arith.constant 0 : i32
      %dma_start3A_64 = tpu.memref_slice %arg5[%add3A_61, %dma_start3A_62, %dma_start3A_63] : memref<2048x100x64xf32, #tpu.memory_space<hbm>> -> memref<1x100x64xf32, #tpu.memory_space<hbm>>
      %dma_start3A_65 = tpu.memref_squeeze %dma_start3A_64 : memref<1x100x64xf32, #tpu.memory_space<hbm>> -> memref<100x64xf32, #tpu.memory_space<hbm>>
      %dma_start3A_66 = arith.constant 0 : i32
      %dma_start3A_67 = arith.constant 0 : i32
      %dma_start3A_68 = tpu.memref_slice %arg5[%add3A_61, %dma_start3A_66, %dma_start3A_67] : memref<2048x100x64xf32, #tpu.memory_space<hbm>> -> memref<1x100x64xf32, #tpu.memory_space<hbm>>
      %dma_start3A_69 = tpu.memref_squeeze %dma_start3A_68 : memref<1x100x64xf32, #tpu.memory_space<hbm>> -> memref<100x64xf32, #tpu.memory_space<hbm>>
      tpu.enqueue_dma source(%arg10 : memref<100x64xf32, #tpu.memory_space<vmem>>) target(%dma_start3A_69 : memref<100x64xf32, #tpu.memory_space<hbm>>) target_semaphore(%arg14 : memref<!tpu.dma_semaphore, #tpu.memory_space<semaphore_mem>>)
      %mul3A_70 = arith.constant 2 : i32
      %mul3A_71 = arith.muli %mul3A_70, %scan3A_37 : i32
      %add3A_72 = arith.constant 1 : i32
      %add3A_73 = arith.addi %mul3A_71, %add3A_72 : i32
      %dma_wait3A_74 = arith.constant 0 : i32
      %dma_wait3A_75 = arith.constant 0 : i32
      %dma_wait3A_76 = tpu.memref_slice %arg6[%dma_wait3A_74, %dma_wait3A_75] : memref<64x100xi32, #tpu.memory_space<vmem>> -> memref<1x100xi32, #tpu.memory_space<vmem>>
      %dma_wait3A_77 = tpu.memref_squeeze %dma_wait3A_76 : memref<1x100xi32, #tpu.memory_space<vmem>> -> memref<100xi32, #tpu.memory_space<vmem>>
      %dma_wait3A_78 = arith.constant 0 : i32
      %dma_wait3A_79 = arith.constant 0 : i32
      %dma_wait3A_80 = tpu.memref_slice %arg4[%dma_wait3A_78, %dma_wait3A_79] : memref<1000000x64xf32, #tpu.memory_space<hbm>> -> memref<1000000x64xf32, #tpu.memory_space<hbm>>
      tpu.wait_indirect_dma semaphore(%arg13 : memref<!tpu.dma_semaphore, #tpu.memory_space<semaphore_mem>>) src(%dma_wait3A_80 : memref<1000000x64xf32, #tpu.memory_space<hbm>>) dst(%arg9 : memref<100x64xf32, #tpu.memory_space<vmem>>)
      %ge3A_81 = arith.constant 1 : i32
      %ge3A_82 = arith.cmpi sge, %scan3A_37, %ge3A_81 : i32
      %convert_element_type3A_83 = arith.extui %ge3A_82 : i1 to i32
      %cond3A_84 = arith.constant 0 : i32
      %cond3A_85 = arith.cmpi ne, %convert_element_type3A_83, %cond3A_84 : i32
      scf.if %cond3A_85 {
        %dma_wait3A_108 = arith.constant 0 : i32
        %dma_wait3A_109 = arith.constant 0 : i32
        %dma_wait3A_110 = tpu.memref_slice %arg5[%mul3A_2, %dma_wait3A_108, %dma_wait3A_109] : memref<2048x100x64xf32, #tpu.memory_space<hbm>> -> memref<1x100x64xf32, #tpu.memory_space<hbm>>
        %dma_wait3A_111 = tpu.memref_squeeze %dma_wait3A_110 : memref<1x100x64xf32, #tpu.memory_space<hbm>> -> memref<100x64xf32, #tpu.memory_space<hbm>>
        %dma_wait3A_112 = arith.constant 0 : i32
        %dma_wait3A_113 = arith.constant 0 : i32
        %dma_wait3A_114 = tpu.memref_slice %arg5[%mul3A_2, %dma_wait3A_112, %dma_wait3A_113] : memref<2048x100x64xf32, #tpu.memory_space<hbm>> -> memref<1x100x64xf32, #tpu.memory_space<hbm>>
        %dma_wait3A_115 = tpu.memref_squeeze %dma_wait3A_114 : memref<1x100x64xf32, #tpu.memory_space<hbm>> -> memref<100x64xf32, #tpu.memory_space<hbm>>
        tpu.wait_dma2 semaphore(%arg15 : memref<!tpu.dma_semaphore, #tpu.memory_space<semaphore_mem>>) src(%arg11 : memref<100x64xf32, #tpu.memory_space<vmem>>) dst(%dma_wait3A_115 : memref<100x64xf32, #tpu.memory_space<hbm>>)
      } else {
      }
      %rem3A_86 = arith.constant 2 : i32
      %rem3A_87 = arith.remsi %add3A_73, %rem3A_86 : i32
      %mul3A_88 = arith.constant 100 : i32
      %mul3A_89 = arith.muli %rem3A_87, %mul3A_88 : i32
      %parallel_loop3A_90 = arith.constant 0 : i32
      %parallel_loop3A_91 = arith.constant 100 : i32
      %parallel_loop3A_92 = arith.constant 1 : i32
      scf.for %parallel_loop3A_108 = %parallel_loop3A_90 to %parallel_loop3A_91 step %parallel_loop3A_92  : i32 {
        %parallel_loop3A_109 = arith.index_cast %parallel_loop3A_108 : i32 to index
        %parallel_loop3A_110 = arith.constant 0 : index
        %parallel_loop3A_111 = tpu.vector_load %arg9[%parallel_loop3A_109, %parallel_loop3A_110] {strides = array<i32>} : memref<100x64xf32, #tpu.memory_space<vmem>>, vector<1x16xf32>,
        %parallel_loop3A_112 = vector.shape_cast %parallel_loop3A_111 : vector<1x16xf32> to vector<16xf32>
        %parallel_loop3A_113 = arith.addi %mul3A_89, %parallel_loop3A_108 : i32
        %parallel_loop3A_114 = arith.index_cast %parallel_loop3A_113 : i32 to index
        %parallel_loop3A_115 = arith.constant 0 : index
        %parallel_loop3A_116 = tpu.vector_load %arg7[%parallel_loop3A_114, %parallel_loop3A_115] {strides = array<i32>} : memref<200x64xf32, #tpu.memory_space<vmem>>, vector<1x16xf32>,
        %parallel_loop3A_117 = vector.shape_cast %parallel_loop3A_116 : vector<1x16xf32> to vector<16xf32>
        %parallel_loop3A_118 = arith.addf %parallel_loop3A_112, %parallel_loop3A_117 : vector<16xf32>
        %parallel_loop3A_119 = arith.index_cast %parallel_loop3A_108 : i32 to index
        %parallel_loop3A_120 = arith.constant 0 : index
        %parallel_loop3A_121 = tpu.vector_load %arg11[%parallel_loop3A_119, %parallel_loop3A_120] {strides = array<i32>} : memref<100x64xf32, #tpu.memory_space<vmem>>, vector<1x16xf32>,
        %parallel_loop3A_122 = vector.shape_cast %parallel_loop3A_121 : vector<1x16xf32> to vector<16xf32>
        %parallel_loop3A_123 = vector.shape_cast %parallel_loop3A_118 : vector<16xf32> to vector<1x16xf32>
        tpu.vector_store %arg11[%parallel_loop3A_119, %parallel_loop3A_120], %parallel_loop3A_123 {strides = array<i32>} : memref<100x64xf32, #tpu.memory_space<vmem>>, vector<1x16xf32>,
        %parallel_loop3A_124 = arith.index_cast %parallel_loop3A_108 : i32 to index
        %parallel_loop3A_125 = arith.constant 16 : index
        %parallel_loop3A_126 = tpu.vector_load %arg9[%parallel_loop3A_124, %parallel_loop3A_125] {strides = array<i32>} : memref<100x64xf32, #tpu.memory_space<vmem>>, vector<1x16xf32>,
        %parallel_loop3A_127 = vector.shape_cast %parallel_loop3A_126 : vector<1x16xf32> to vector<16xf32>
        %parallel_loop3A_128 = arith.addi %mul3A_89, %parallel_loop3A_108 : i32
        %parallel_loop3A_129 = arith.index_cast %parallel_loop3A_128 : i32 to index
        %parallel_loop3A_130 = arith.constant 16 : index
        %parallel_loop3A_131 = tpu.vector_load %arg7[%parallel_loop3A_129, %parallel_loop3A_130] {strides = array<i32>} : memref<200x64xf32, #tpu.memory_space<vmem>>, vector<1x16xf32>,
        %parallel_loop3A_132 = vector.shape_cast %parallel_loop3A_131 : vector<1x16xf32> to vector<16xf32>
        %parallel_loop3A_133 = arith.addf %parallel_loop3A_127, %parallel_loop3A_132 : vector<16xf32>
        %parallel_loop3A_134 = arith.index_cast %parallel_loop3A_108 : i32 to index
        %parallel_loop3A_135 = arith.constant 16 : index
        %parallel_loop3A_136 = tpu.vector_load %arg11[%parallel_loop3A_134, %parallel_loop3A_135] {strides = array<i32>} : memref<100x64xf32, #tpu.memory_space<vmem>>, vector<1x16xf32>,
        %parallel_loop3A_137 = vector.shape_cast %parallel_loop3A_136 : vector<1x16xf32> to vector<16xf32>
        %parallel_loop3A_138 = vector.shape_cast %parallel_loop3A_133 : vector<16xf32> to vector<1x16xf32>
        tpu.vector_store %arg11[%parallel_loop3A_134, %parallel_loop3A_135], %parallel_loop3A_138 {strides = array<i32>} : memref<100x64xf32, #tpu.memory_space<vmem>>, vector<1x16xf32>,
        %parallel_loop3A_139 = arith.index_cast %parallel_loop3A_108 : i32 to index
        %parallel_loop3A_140 = arith.constant 32 : index
        %parallel_loop3A_141 = tpu.vector_load %arg9[%parallel_loop3A_139, %parallel_loop3A_140] {strides = array<i32>} : memref<100x64xf32, #tpu.memory_space<vmem>>, vector<1x16xf32>,
        %parallel_loop3A_142 = vector.shape_cast %parallel_loop3A_141 : vector<1x16xf32> to vector<16xf32>
        %parallel_loop3A_143 = arith.addi %mul3A_89, %parallel_loop3A_108 : i32
        %parallel_loop3A_144 = arith.index_cast %parallel_loop3A_143 : i32 to index
        %parallel_loop3A_145 = arith.constant 32 : index
        %parallel_loop3A_146 = tpu.vector_load %arg7[%parallel_loop3A_144, %parallel_loop3A_145] {strides = array<i32>} : memref<200x64xf32, #tpu.memory_space<vmem>>, vector<1x16xf32>,
        %parallel_loop3A_147 = vector.shape_cast %parallel_loop3A_146 : vector<1x16xf32> to vector<16xf32>
        %parallel_loop3A_148 = arith.addf %parallel_loop3A_142, %parallel_loop3A_147 : vector<16xf32>
        %parallel_loop3A_149 = arith.index_cast %parallel_loop3A_108 : i32 to index
        %parallel_loop3A_150 = arith.constant 32 : index
        %parallel_loop3A_151 = tpu.vector_load %arg11[%parallel_loop3A_149, %parallel_loop3A_150] {strides = array<i32>} : memref<100x64xf32, #tpu.memory_space<vmem>>, vector<1x16xf32>,
        %parallel_loop3A_152 = vector.shape_cast %parallel_loop3A_151 : vector<1x16xf32> to vector<16xf32>
        %parallel_loop3A_153 = vector.shape_cast %parallel_loop3A_148 : vector<16xf32> to vector<1x16xf32>
        tpu.vector_store %arg11[%parallel_loop3A_149, %parallel_loop3A_150], %parallel_loop3A_153 {strides = array<i32>} : memref<100x64xf32, #tpu.memory_space<vmem>>, vector<1x16xf32>,
        %parallel_loop3A_154 = arith.index_cast %parallel_loop3A_108 : i32 to index
        %parallel_loop3A_155 = arith.constant 48 : index
        %parallel_loop3A_156 = tpu.vector_load %arg9[%parallel_loop3A_154, %parallel_loop3A_155] {strides = array<i32>} : memref<100x64xf32, #tpu.memory_space<vmem>>, vector<1x16xf32>,
        %parallel_loop3A_157 = vector.shape_cast %parallel_loop3A_156 : vector<1x16xf32> to vector<16xf32>
        %parallel_loop3A_158 = arith.addi %mul3A_89, %parallel_loop3A_108 : i32
        %parallel_loop3A_159 = arith.index_cast %parallel_loop3A_158 : i32 to index
        %parallel_loop3A_160 = arith.constant 48 : index
        %parallel_loop3A_161 = tpu.vector_load %arg7[%parallel_loop3A_159, %parallel_loop3A_160] {strides = array<i32>} : memref<200x64xf32, #tpu.memory_space<vmem>>, vector<1x16xf32>,
        %parallel_loop3A_162 = vector.shape_cast %parallel_loop3A_161 : vector<1x16xf32> to vector<16xf32>
        %parallel_loop3A_163 = arith.addf %parallel_loop3A_157, %parallel_loop3A_162 : vector<16xf32>
        %parallel_loop3A_164 = arith.index_cast %parallel_loop3A_108 : i32 to index
        %parallel_loop3A_165 = arith.constant 48 : index
        %parallel_loop3A_166 = tpu.vector_load %arg11[%parallel_loop3A_164, %parallel_loop3A_165] {strides = array<i32>} : memref<100x64xf32, #tpu.memory_space<vmem>>, vector<1x16xf32>,
        %parallel_loop3A_167 = vector.shape_cast %parallel_loop3A_166 : vector<1x16xf32> to vector<16xf32>
        %parallel_loop3A_168 = vector.shape_cast %parallel_loop3A_163 : vector<16xf32> to vector<1x16xf32>
        tpu.vector_store %arg11[%parallel_loop3A_164, %parallel_loop3A_165], %parallel_loop3A_168 {strides = array<i32>} : memref<100x64xf32, #tpu.memory_space<vmem>>, vector<1x16xf32>,
      } {sc.loop_unroll_factor = 10 : i64, sc.parallel_access}
      %lt3A_93 = arith.constant 31 : i32
      %lt3A_94 = arith.cmpi slt, %scan3A_37, %lt3A_93 : i32
      %convert_element_type3A_95 = arith.extui %lt3A_94 : i1 to i32
      %cond3A_96 = arith.constant 0 : i32
      %cond3A_97 = arith.cmpi ne, %convert_element_type3A_95, %cond3A_96 : i32
      scf.if %cond3A_97 {
        %add3A_108 = arith.constant 2 : i32
        %add3A_109 = arith.addi %add3A_73, %add3A_108 : i32
        %dma_start3A_110 = arith.constant 0 : i32
        %dma_start3A_111 = tpu.memref_slice %arg6[%add3A_109, %dma_start3A_110] : memref<64x100xi32, #tpu.memory_space<vmem>> -> memref<1x100xi32, #tpu.memory_space<vmem>>
        %dma_start3A_112 = tpu.memref_squeeze %dma_start3A_111 : memref<1x100xi32, #tpu.memory_space<vmem>> -> memref<100xi32, #tpu.memory_space<vmem>>
        %dma_start3A_113 = arith.constant 0 : i32
        %dma_start3A_114 = arith.constant 0 : i32
        %dma_start3A_115 = tpu.memref_slice %arg4[%dma_start3A_113, %dma_start3A_114] : memref<1000000x64xf32, #tpu.memory_space<hbm>> -> memref<1000000x64xf32, #tpu.memory_space<hbm>>
        tpu.enqueue_indirect_dma source(%dma_start3A_115 : memref<1000000x64xf32, #tpu.memory_space<hbm>>) target(%arg9 : memref<100x64xf32, #tpu.memory_space<vmem>>) offsets(%dma_start3A_112 : memref<100xi32, #tpu.memory_space<vmem>>) semaphore(%arg13 : memref<!tpu.dma_semaphore, #tpu.memory_space<semaphore_mem>>)
      } else {
      }
      %add3A_98 = arith.addi %mul3A_2, %add3A_73 : i32
      %dma_start3A_99 = arith.constant 0 : i32
      %dma_start3A_100 = arith.constant 0 : i32
      %dma_start3A_101 = tpu.memref_slice %arg5[%add3A_98, %dma_start3A_99, %dma_start3A_100] : memref<2048x100x64xf32, #tpu.memory_space<hbm>> -> memref<1x100x64xf32, #tpu.memory_space<hbm>>
      %dma_start3A_102 = tpu.memref_squeeze %dma_start3A_101 : memref<1x100x64xf32, #tpu.memory_space<hbm>> -> memref<100x64xf32, #tpu.memory_space<hbm>>
      %dma_start3A_103 = arith.constant 0 : i32
      %dma_start3A_104 = arith.constant 0 : i32
      %dma_start3A_105 = tpu.memref_slice %arg5[%add3A_98, %dma_start3A_103, %dma_start3A_104] : memref<2048x100x64xf32, #tpu.memory_space<hbm>> -> memref<1x100x64xf32, #tpu.memory_space<hbm>>
      %dma_start3A_106 = tpu.memref_squeeze %dma_start3A_105 : memref<1x100x64xf32, #tpu.memory_space<hbm>> -> memref<100x64xf32, #tpu.memory_space<hbm>>
      tpu.enqueue_dma source(%arg11 : memref<100x64xf32, #tpu.memory_space<vmem>>) target(%dma_start3A_106 : memref<100x64xf32, #tpu.memory_space<hbm>>) target_semaphore(%arg15 : memref<!tpu.dma_semaphore, #tpu.memory_space<semaphore_mem>>)
      %scan3A_107 = arith.constant 0 : i32
      scf.yield %scan3A_107 : i32
    }
    %scan3A_21 = arith.constant 32 : i32
    %dma_wait3A = arith.constant 0 : i32
    %dma_wait3A_22 = arith.constant 0 : i32
    %dma_wait3A_23 = tpu.memref_slice %arg5[%mul3A_2, %dma_wait3A, %dma_wait3A_22] : memref<2048x100x64xf32, #tpu.memory_space<hbm>> -> memref<1x100x64xf32, #tpu.memory_space<hbm>>
    %dma_wait3A_24 = tpu.memref_squeeze %dma_wait3A_23 : memref<1x100x64xf32, #tpu.memory_space<hbm>> -> memref<100x64xf32, #tpu.memory_space<hbm>>
    %dma_wait3A_25 = arith.constant 0 : i32
    %dma_wait3A_26 = arith.constant 0 : i32
    %dma_wait3A_27 = tpu.memref_slice %arg5[%mul3A_2, %dma_wait3A_25, %dma_wait3A_26] : memref<2048x100x64xf32, #tpu.memory_space<hbm>> -> memref<1x100x64xf32, #tpu.memory_space<hbm>>
    %dma_wait3A_28 = tpu.memref_squeeze %dma_wait3A_27 : memref<1x100x64xf32, #tpu.memory_space<hbm>> -> memref<100x64xf32, #tpu.memory_space<hbm>>
    tpu.wait_dma2 semaphore(%arg14 : memref<!tpu.dma_semaphore, #tpu.memory_space<semaphore_mem>>) src(%arg10 : memref<100x64xf32, #tpu.memory_space<vmem>>) dst(%dma_wait3A_28 : memref<100x64xf32, #tpu.memory_space<hbm>>)
    %dma_wait3A_29 = arith.constant 0 : i32
    %dma_wait3A_30 = arith.constant 0 : i32
    %dma_wait3A_31 = tpu.memref_slice %arg5[%mul3A_2, %dma_wait3A_29, %dma_wait3A_30] : memref<2048x100x64xf32, #tpu.memory_space<hbm>> -> memref<1x100x64xf32, #tpu.memory_space<hbm>>
    %dma_wait3A_32 = tpu.memref_squeeze %dma_wait3A_31 : memref<1x100x64xf32, #tpu.memory_space<hbm>> -> memref<100x64xf32, #tpu.memory_space<hbm>>
    %dma_wait3A_33 = arith.constant 0 : i32
    %dma_wait3A_34 = arith.constant 0 : i32
    %dma_wait3A_35 = tpu.memref_slice %arg5[%mul3A_2, %dma_wait3A_33, %dma_wait3A_34] : memref<2048x100x64xf32, #tpu.memory_space<hbm>> -> memref<1x100x64xf32, #tpu.memory_space<hbm>>
    %dma_wait3A_36 = tpu.memref_squeeze %dma_wait3A_35 : memref<1x100x64xf32, #tpu.memory_space<hbm>> -> memref<100x64xf32, #tpu.memory_space<hbm>>
    tpu.wait_dma2 semaphore(%arg15 : memref<!tpu.dma_semaphore, #tpu.memory_space<semaphore_mem>>) src(%arg11 : memref<100x64xf32, #tpu.memory_space<vmem>>) dst(%dma_wait3A_36 : memref<100x64xf32, #tpu.memory_space<hbm>>)
    return
  }
}

</mosaic_0001>

<sc_bundles>
// kernel: kernel.3.cloned.1.call-start
scs
__scs_entry_jumppad:
0x0: {  	(pc) =	sbr.rel $0x88, $3  }
0x1: {  	(tag) =	ssettag $0x0;
	lr =	simm.s32 $0x1  }
0x2: {  	[smem:$0x3F9F] =	sst lr;
	_ =	strace $0xD0000000  }
0x3: {  	_ = 	snop  }
0x4: {  	_ = 	snop  }
0x5: {  	_ = 	snop  }
0x6: {  	_ = 	snop  }
0x7: {  	_ = 	snop  }
__scs_overlays_trampoline_lowered:
0x8: {  	[smem:$0x3FAE] =	sst s0  }
0x9: {  	[smem:$0x3FAF] =	sst s1  }
0xa: {  	[smem:$0x3FB0] =	sst s2  }
0xb: {  	[smem:$0x3FB1] =	sst s3  }
0xc: {  	[smem:$0x3FB2] =	sst s4  }
0xd: {  	[smem:$0x3FB3] =	sst s5  }
0xe: {  	[smem:$0x3FB4] =	sst s6  }
0xf: {  	[smem:$0x3FB5] =	sst s7  }
0x10: {  	[smem:$0x3FB6] =	sst s8  }
0x11: {  	[smem:$0x3FB7] =	sst s9;
	s0 =	simm.s32 @!p0 $0x0  }
0x12: {  	s1 =	sld [smem:$0x3F9D];
	s0 =	simm.s32 @p0 $0x1  }
0x13: {  	[smem:$0x3FB8] =	sst s0;
	s0 =	simm.s32 @!p1 $0x0  }
0x14: {  	s2 =	sld [smem:$0x3F9C];
	s0 =	simm.s32 @p1 $0x1  }
0x15: {  	[smem:$0x3FB9] =	sst s0;
	s0 =	simm.s32 @!p2 $0x0  }
0x16: {  	s3 =	sld [smem:$0x3FDB];
	s0 =	simm.s32 @p2 $0x1  }
0x17: {  	s4 =	simm.s32 $0x1BF5;
	[smem:$0x3FBB] =	sst s0  }
0x18: {  	s0 =	sld [smem:$0x3F9E];
	_ =	swait.ge [sflag:s4], $0x0  }
0x19: {  	s7 =	sld [smem:$0x3F9F]  }
0x1a: {  	s8 =	sadd.s32 $0xFFFFE003, lr  }
0x1b: {  	s9 =	sadd.s32 $0xFFFFFEF7, lr;
	s5 =	simm.s32 $0xFFFFFFFF;
	p2 =	slt.u32 s8, $0xFFFFF086  }
0x1c: {  	p1 =	slt.u32 s9, $0xF7A;
	s5 =	simm.s32 @!p2 $0x0  }
0x1d: {  	s5 =	simm.s32 @p1 $0x1;
	p0 =	seq.s32 s7, s2  }
0x1e: {  	s7 =	smul.u32 @!p0 $0xF7A, s2;
	p2 =	seq.s32 @!p0 s5, $0x0  }
0x1f: {  	s9 =	smul.u32 $0xF7A, s1;
	s8 =	simm.s32 @!p0 $0x1BF5;
	p2 =	por !p2, p0  }
0x20: {  	[sflag:s8] =	ssyncset.s32 @!p0 $0xFFFFF086;
	s6 =	sadd.s32 @!p0 s3, s7;
	s7 =	simm.s32 @!p0 $0x108  }
0x21: {  	s3 =	sadd.s32 s3, s9;
	s6 =	sadd.s32 @!p0 $0x88, s6;
	s7 =	simm.s32 @p2 $0x1082  }
0x22: {  	[simem:s7], [sflag:s8] =	dma.local @!p0 [hbm:s6], $0xF7A  }
0x23: {  	s9 =	sor.u32 $0xD0000000, s2;
	s6 =	simm.s32 $0x108;
	_ =	swait.ge @!p0 [sflag:s8], $0x0  }
0x24: {  	s3 =	sadd.s32 $0x88, s3;
	s6 =	simm.s32 @!p1 $0x1082;
	[sflag:s4] =	ssyncset.s32 $0xFFFFF086  }
0x25: {  	[simem:s6], [sflag:s4] =	dma.local [hbm:s3], $0xF7A  }
0x26: {  	[smem:$0x3F9F] =	sst s1;
	(tag) =	ssettag s2;
	_ =	strace s9  }
0x27: {  	s1 =	sld [smem:$0x3FAF]  }
0x28: {  	s2 =	sld [smem:$0x3FB0]  }
0x29: {  	s4 =	sld [smem:$0x3FB2]  }
0x2a: {  	p0 =	seq.s32 s5, $0x0;
	s5 =	sld [smem:$0x3FB3]  }
0x2b: {  	s6 =	sld [smem:$0x3FB4]  }
0x2c: {  	s7 =	sld [smem:$0x3FB5]  }
0x2d: {  	s3 =	simm.s32 $0x108;
	s8 =	sld [smem:$0x3FB6]  }
0x2e: {  	s3 =	simm.s32 @!p0 $0x1082;
	s9 =	sld [smem:$0x3FB7]  }
0x2f: {  	lr =	sadd.s32 s0, s3;
	s0 =	sld [smem:$0x3FAE]  }
0x30: {  	s3 =	sld [smem:$0x3FB1]  }
0x31: {  	[smem:$0x3FBA] =	sst s10  }
0x32: {  	s10 =	sld [smem:$0x3FB8];
	_ =	sdelay $0x3  }
0x33: {  	p0 =	seq.s32 s10, $0x1;
	s10 =	sld [smem:$0x3FBA];
	_ =	sdelay $0x3  }
0x34: {  	[smem:$0x3FBA] =	sst s10  }
0x35: {  	s10 =	sld [smem:$0x3FB9];
	_ =	sdelay $0x3  }
0x36: {  	p1 =	seq.s32 s10, $0x1;
	s10 =	sld [smem:$0x3FBA];
	_ =	sdelay $0x3  }
0x37: {  	[smem:$0x3FBA] =	sst s10  }
0x38: {  	s10 =	sld [smem:$0x3FBB]  }
0x39: {  	_ = 	snop;
	(pc) =	sbr.ind lr, $3  }
0x3a: {  	_ = 	snop  }
0x3b: {  	_ = 	snop  }
0x3c: {  	p2 =	seq.s32 s10, $0x1;
	s10 =	sld [smem:$0x3FBA]  }
0x3d: {  	_ =	shalt  }
0x3e: {  	_ =	shalt  }
0x3f: {  	_ =	shalt  }
0x40: {  	_ =	shalt  }
0x41: {  	_ =	shalt  }
0x42: {  	_ =	shalt  }
0x43: {  	_ =	shalt  }
0x44: {  	_ =	shalt  }
0x45: {  	_ =	shalt  }
0x46: {  	_ =	shalt  }
0x47: {  	_ =	shalt  }
0x48: {  	_ =	shalt  }
0x49: {  	_ =	shalt  }
0x4a: {  	_ =	shalt  }
0x4b: {  	_ =	shalt  }
0x4c: {  	_ =	shalt  }
0x4d: {  	_ =	shalt  }
0x4e: {  	_ =	shalt  }
0x4f: {  	_ =	shalt  }
0x50: {  	_ =	shalt  }
0x51: {  	_ =	shalt  }
0x52: {  	_ =	shalt  }
0x53: {  	_ =	shalt  }
0x54: {  	_ =	shalt  }
0x55: {  	_ =	shalt  }
0x56: {  	_ =	shalt  }
0x57: {  	_ =	shalt  }
0x58: {  	_ =	shalt  }
0x59: {  	_ =	shalt  }
0x5a: {  	_ =	shalt  }
0x5b: {  	_ =	shalt  }
0x5c: {  	_ =	shalt  }
0x5d: {  	_ =	shalt  }
0x5e: {  	_ =	shalt  }
0x5f: {  	_ =	shalt  }
0x60: {  	_ =	shalt  }
0x61: {  	_ =	shalt  }
0x62: {  	_ =	shalt  }
0x63: {  	_ =	shalt  }
0x64: {  	_ =	shalt  }
0x65: {  	_ =	shalt  }
0x66: {  	_ =	shalt  }
0x67: {  	_ =	shalt  }
0x68: {  	_ =	shalt  }
0x69: {  	_ =	shalt  }
0x6a: {  	_ =	shalt  }
0x6b: {  	_ =	shalt  }
0x6c: {  	_ =	shalt  }
0x6d: {  	_ =	shalt  }
0x6e: {  	_ =	shalt  }
0x6f: {  	_ =	shalt  }
0x70: {  	_ =	shalt  }
0x71: {  	_ =	shalt  }
0x72: {  	_ =	shalt  }
0x73: {  	_ =	shalt  }
0x74: {  	_ =	shalt  }
0x75: {  	_ =	shalt  }
0x76: {  	_ =	shalt  }
0x77: {  	_ =	shalt  }
0x78: {  	_ =	shalt  }
0x79: {  	_ =	shalt  }
0x7a: {  	_ =	shalt  }
0x7b: {  	_ =	shalt  }
0x7c: {  	_ =	shalt  }
0x7d: {  	_ =	shalt  }
0x7e: {  	_ =	shalt  }
0x7f: {  	_ =	shalt  }
0x80: {  	_ =	shalt  }
0x81: {  	_ =	shalt  }
0x82: {  	_ =	shalt  }
0x83: {  	_ =	shalt  }
0x84: {  	_ =	shalt  }
0x85: {  	_ =	shalt  }
0x86: {  	_ =	shalt  }
0x87: {  	_ =	shalt  }
.Lfunc_end0:
.L_simem_size_0:
called_computation.1_lowered:
.L_overlay_start_0:
0x88: {  	s2 =	sld [smem:$0x3FD9]  }
0x89: {  	s3 =	sld [smem:$0x3FFE];
	_ =	sdelay $0x1  }
0x8a: {  	s1 =	srdreg.scid  }
0x8b: {  	s0 =	sand.u32 $0x1, s1  }
0x8c: {  	s17 =	sshll.u32 s0, $0xA;
	s2 =	sadd.s32 s3, s2  }
0x8d: {  	s2 =	sadd.s32 s2, s17  }
0x8e: {  	[smem:$0x3FC6] =	sst s2  }
0x8f: {  	_ = 	snop  }
0x90: {  	s2 =	sld [smem:$0x3FD0];
	(tm) =	ssettm $0x1  }
0x91: {  	s18 =	sld [smem:$0x3FFB];
	_ =	sdelay $0x3  }
0x92: {  	_ =	strace s18  }
0x93: {  	s3 =	sld [smem:$0x3FFC];
	_ =	sdelay $0x3  }
0x94: {  	_ =	strace s3  }
0x95: {  	s3 =	sld [smem:$0x3FFD];
	_ =	sdelay $0x3  }
0x96: {  	_ =	strace s3  }
0x97: {  	_ =	strace $0x8FFFFFFF  }
0x98: {  	s19 =	sld [smem:$0x3FDB];
	_ =	sdelay $0x1  }
0x99: {  	s4 =	simm.s32 $_scs_section_size  }
0x9a: {  	s5 =	simm.s32 $_size__tile_overlayer_lowered;
	s6 =	simm.s32 $_tile_overlayer_lowered  }
0x9b: {  	s22 =	simm.s32 $0x1BFF;
	s21 =	sshll.u32 s6, $0x1;
	s3 =	sadd.s32 s4, s19  }
0x9c: {  	s7 =	simm.s32 $0x0;
	s20 =	sshll.u32 s5, $0x1;
	s5 =	sadd.s32 s21, s3  }
0x9d: {  	[timem:s7], [sflag:s22] =	dma.local [hbm:s5], s20  }
0x9e: {  	_ =	swait.ge [sflag:s22], s20  }
0x9f: {  	s4 =	ssub.s32 $0x0, s20;
	[sflag:s22] =	ssyncset.done $0x0  }
0xa0: {  	[sflag:s22] =	ssyncadd.s32 s4;
	_ =	sdelay $0x1  }
0xa1: {  	s23 =	simm.s32 $0x1B8B  }
0xa2: {  	_ =	swait.ge [sflag:s23], $0x1  }
0xa3: {  	[sflag:s23] =	ssyncset.done $0x0  }
0xa4: {  	s25 =	simm.s32 $0x1B8E;
	s24 =	sld [smem:$0x3FFE];
	[sflag:s23] =	ssyncadd.s32 $0xFFFFFFFF  }
0xa5: {  	s26 =	simm.s32 $execute0_lowered;
	[smem:$0x3FD2] =	sst s25  }
0xa6: {  	s5 =	sshll.u32 s26, $0x1;
	_ =	strace $0x80000046;
	[dreg:$0x1] =	wrdreg $0xFFFFFFFF  }
0xa7: {  	s28 =	simm.s32 $_size_execute0_lowered;
	s3 =	sadd.s32 s3, s5;
	[dreg:$0x0] =	wrdreg $0x0  }
0xa8: {  	s5 =	sshll.u32 s28, $0x1;
	[dreg:$0x2] =	wrdreg s3  }
0xa9: {  	[dreg:$0x3] =	wrdreg s5  }
0xaa: {  	[dreg:$0x4] =	wrdreg $0xC0  }
0xab: {  	_ =	task [dreg:s7], $0x5FFFF  }
0xac: {  	[dreg:$0x1] =	wrdreg $0xFFFFFFFF  }
0xad: {  	[dreg:$0x0] =	wrdreg $0x60  }
0xae: {  	[dreg:$0x2] =	wrdreg s24  }
0xaf: {  	[dreg:$0x3] =	wrdreg s2  }
0xb0: {  	[dreg:$0x4] =	wrdreg $0x9  }
0xb1: {  	_ =	task.clear_ibuf [dreg:s7], $0x5FFFF;
	_ =	strace $0x90000046  }
0xb2: {  	s29 =	simm.s32 $0x9;
	_ =	strace $0x80000048  }
0xb3: {  	_ =	swait.ge [sflag:s29], $0x1  }
0xb4: {  	[sflag:s29] =	ssyncadd.s32 $0xFFFFFFFF  }
0xb5: {  	_ =	strace $0x90000048  }
0xb6: {  	_ =	sfence  }
0xb7: {  	s30 =	sld [smem:$0x0];
	_ =	sdelay $0x2  }
0xb8: {  	s31 =	sshll.u32 s1, $0xD;
	s1 =	sshrl.u32 s1, $0x2  }
0xb9: {  	s3 =	sand.u32 $0x4000, s31;
	s1 =	sadd.s32 s1, s30  }
0xba: {  	s0 =	sor.u32 s3, s0;
	s1 =	sshll.u32 s1, $0x11  }
0xbb: {  	s0 =	sor.u32 s1, s0  }
0xbc: {  	s0 =	sadd.s32 $0x8F2B, s0  }
0xbd: {  	[sflag:s0] =	ssyncadd.remote.s32 $0x1  }
0xbe: {  	_ =	sfence.sel $0xFFFF  }
0xbf: {  	[dreg:$0x0] =	wrdreg $0xFFFFFFFF;
	(pc) =	sbr.abs _section_cstart, $3  }
0xc0: {  	[dreg:$0x1] =	wrdreg $0xFFFFFFFF  }
0xc1: {  	_ =	task.clear_ibuf [dreg:s7], $0x2FFFF;
	_ =	strace $0x9FFFFFFF  }
0xc2: {  	(tm) =	ssettm $0x7FFFFFFF  }
0xc3: {  	_ =	shalt  }
tec
execute0_lowered:
.L_overlay_start_1:
0x0: {  	(tag) =	ssettag $0x1  }
0x1: {  	s1 =	srdreg.scid;
	s6 =	rddreg [dreg:$0x0]  }
0x2: {  	s0 =	stileid.u32;
	s2 =	rddreg [dreg:$0x1]  }
0x3: {  	s4 =	simm.s32 $0x0;
	s10 =	simm.s32 $0x1A00;
	s11 =	simm.s32 $0x64  }
0x4: {  	s12 =	simm.s32 $0x4C00;
	s13 =	simm.s32 $0x68;
	s14 =	simm.s32 $0x6500  }
0x5: {  	s15 =	simm.s32 $0x1;
	s16 =	simm.s32 $0x7E00;
	s17 =	simm.s32 $0x2  }
0x6: {  	s18 =	simm.s32 $0x9700;
	s19 =	simm.s32 $0x3;
	s5 =	sand.u32 $0x1, s1  }
0x7: {  	s20 =	simm.s32 $0x4;
	s31 =	sshll.u32 s0, $0x7;
	s3 =	sshll.u32 s5, $0x6  }
0x8: {  	s21 =	simm.s32 $0x0;
	s1 =	rddreg [dreg:$0x2];
	s3 =	sor.u32 s3, s31  }
0x9: {  	[smem:$0x7FF] =	sst s4;
	s8 =	ssub.s32 $0x2, s5;
	s7 =	smul.u32 $0xD, s3  }
0xa: {  	_ =	strace $0x80000047;
	s5 =	sadd.s32 $0xC00, s6;
	s9 =	sshrl.u32 s8, $0x1  }
0xb: {  	s8 =	ssub.s32 s8, s9;
	s9 =	simm.s32 $0x5;
	s7 =	sadd.s32 s7, s6  }
0xc: {  	s8 =	smax.u32 s8, $0x1;
	s6 =	sadd.s32 $0xF43800, s6;
	s7 =	sadd.s32 $0x1400, s7  }
.LBB2_1:
0xd: {  	[tilespmem:s4], [sflag:$0x5] =	stream.linear.gather [hbm4b:s7+s4], $0x1A00, $0x38;
	[tilespmem:$0xB000] =	vst v63  }
0xe: {  	_ =	swait.ge [sflag:s9], $0x1A00  }
0xf: {  	[sflag:s9] =	ssyncset.done $0x0  }
0x10: {  	[sflag:s9] =	ssyncadd.s32 $0xFFFFE600  }
0x11: {  	[tilespmem:s10], [sflag:$0x5] =	stream.linear.gather [hbm4b:s5+s4], $0x3200, $0x38;
	[tilespmem:$0xB000] =	vst v63  }
0x12: {  	_ =	swait.ge [sflag:s9], $0x3200  }
0x13: {  	[sflag:s9] =	ssyncset.done $0x0  }
0x14: {  	[sflag:s9] =	ssyncadd.s32 $0xFFFFCE00  }
0x15: {  	[tilespmem:s12], [sflag:$0x1] =	stream.indirect.gather [hbm4b:s6+s11], $0x40, s4, s11, $0xb8;
	[tilespmem:$0xB000] =	vst v63  }
0x16: {  	s22 =	simm.s32 $0x0  }
0x17: {  	[tilespmem:s14], [sflag:$0x2] =	stream.indirect.gather [hbm4b:s6+s11], $0x40, s13, s11, $0xb8;
	[tilespmem:$0xB000] =	vst v63  }
.LBB2_2:
0x18: {  	_ =	swait.ge [sflag:s15], $0x1900  }
0x19: {  	p1 =	seq.s32 s22, $0x0;
	[sflag:s15] =	ssyncset.done $0x0  }
0x1a: {  	s23 =	simm.s32 @!p1 $0x3;
	[sflag:s15] =	ssyncadd.s32 $0xFFFFE700  }
0x1b: {  	_ =	swait.ge @!p1 [sflag:s23], $0x1900  }
0x1c: {  	[sflag:s23] =	ssyncset.done @!p1 $0x0  }
0x1d: {  	s31 =	simm.s32 $0x4D40;
	[sflag:s23] =	ssyncadd.s32 @!p1 $0xFFFFE700  }
0x1e: {  	s24 =	simm.s32 $0x1B40;
	v0 =	vld [tilespmem:s31+$0x100]  }
0x1f: {  	v1 =	vld [tilespmem:s24+$0x100]  }
0x20: {  	v2 =	vld [tilespmem:s24+$0xFFFFFEC0]  }
0x21: {  	v3 =	vld [tilespmem:s31+$0xFFFFFF00]  }
0x22: {  	v4 =	vld [tilespmem:s24+$0xFFFFFF00]  }
0x23: {  	v5 =	vld [tilespmem:s31+$0xFFFFFF40]  }
0x24: {  	v6 =	vld [tilespmem:s24+$0xFFFFFF40]  }
0x25: {  	v7 =	vld [tilespmem:s24+$0xFFFFFF80]  }
0x26: {  	v9 =	vld [tilespmem:s31+$0xFFFFFFC0]  }
0x27: {  	v10 =	vld [tilespmem:s24+$0xFFFFFFC0]  }
0x28: {  	v11 =	vld [tilespmem:s31+$0x0]  }
0x29: {  	v12 =	vld [tilespmem:s24+$0x0]  }
0x2a: {  	v13 =	vld [tilespmem:s31+$0x40];
	v0 =	vadd.f32 v1, v0  }
0x2b: {  	s25 =	simm.s32 $0x7F40;
	v14 =	vld [tilespmem:s31+$0x80];
	v3 =	vadd.f32 v4, v3  }
0x2c: {  	v16 =	vld [tilespmem:s24+$0x80];
	[tilespmem:s25+$0x100] =	vst v0  }
0x2d: {  	[tilespmem:s25+$0xFFFFFF00] =	vst v3;
	v3 =	vadd.f32 v6, v5;
	v5 =	vld [tilespmem:s31+$0xFFFFFEC0]  }
0x2e: {  	v0 =	vld [tilespmem:s31+$0x110]  }
0x2f: {  	v8 =	vld [tilespmem:s24+$0x110]  }
0x30: {  	v17 =	vld [tilespmem:s24+$0xC0]  }
0x31: {  	v1 =	vld [tilespmem:s31+$0xFFFFFF80]  }
0x32: {  	v4 =	vld [tilespmem:s31+$0xC0];
	v2 =	vadd.f32 v2, v5  }
0x33: {  	v6 =	vld [tilespmem:s31+$0xFFFFFF10];
	[tilespmem:s25+$0xFFFFFF40] =	vst v3  }
0x34: {  	v3 =	vld [tilespmem:s24+$0xFFFFFF10];
	v0 =	vadd.f32 v8, v0;
	[tilespmem:s25+$0xFFFFFEC0] =	vst v2  }
0x35: {  	v40 =	vld [tilespmem:s31+$0xFFFFFED0]  }
0x36: {  	[tilespmem:s25+$0x110] =	vst v0;
	v41 =	vld [tilespmem:s24+$0xFFFFFED0]  }
0x37: {  	v0 =	vld [tilespmem:s31+$0x120]  }
0x38: {  	v4 =	vadd.f32 v17, v4;
	v15 =	vld [tilespmem:s24+$0x120]  }
0x39: {  	v39 =	vld [tilespmem:s31+$0xFFFFFF50];
	v3 =	vadd.f32 v3, v6  }
0x3a: {  	[tilespmem:s25+$0xC0] =	vst v4;
	v8 =	vld [tilespmem:s24+$0x40]  }
0x3b: {  	v49 =	vld [tilespmem:s31+$0xD0];
	[tilespmem:s25+$0xFFFFFF10] =	vst v3;
	v4 =	vadd.f32 v41, v40  }
0x3c: {  	v50 =	vld [tilespmem:s31+$0xFFFFFF20]  }
0x3d: {  	v0 =	vadd.f32 v15, v0;
	[tilespmem:s25+$0xFFFFFED0] =	vst v4;
	v4 =	vld [tilespmem:s24+$0xD0]  }
0x3e: {  	v6 =	vld [tilespmem:s31+$0xFFFFFEE0]  }
0x3f: {  	[tilespmem:s25+$0x120] =	vst v0;
	v3 =	vld [tilespmem:s24+$0xFFFFFEE0]  }
0x40: {  	v0 =	vadd.f32 v7, v1;
	v1 =	vld [tilespmem:s31+$0x130]  }
0x41: {  	v5 =	vld [tilespmem:s24+$0x130]  }
0x42: {  	v7 =	vadd.f32 v10, v9;
	[tilespmem:s25+$0xFFFFFF80] =	vst v0;
	v0 =	vld [tilespmem:s24+$0xFFFFFF50]  }
0x43: {  	v2 =	vld [tilespmem:s31+$0xFFFFFF90]  }
0x44: {  	[tilespmem:s25+$0xFFFFFFC0] =	vst v7;
	v7 =	vadd.f32 v12, v11;
	v42 =	vld [tilespmem:s24+$0xFFFFFF90]  }
0x45: {  	v43 =	vld [tilespmem:s31+$0xFFFFFFD0]  }
0x46: {  	[tilespmem:s25+$0x0] =	vst v7;
	v7 =	vadd.f32 v8, v13;
	v8 =	vld [tilespmem:s24+$0xFFFFFFD0]  }
0x47: {  	v44 =	vld [tilespmem:s31+$0x10];
	v3 =	vadd.f32 v3, v6  }
0x48: {  	v45 =	vld [tilespmem:s24+$0x10];
	[tilespmem:s25+$0x40] =	vst v7;
	v7 =	vadd.f32 v16, v14  }
0x49: {  	v46 =	vld [tilespmem:s31+$0x50];
	[tilespmem:s25+$0xFFFFFEE0] =	vst v3  }
0x4a: {  	[tilespmem:s25+$0x80] =	vst v7;
	v7 =	vld [tilespmem:s24+$0x50]  }
0x4b: {  	v59 =	vld [tilespmem:s31+$0xFFFFFEF0]  }
0x4c: {  	v0 =	vadd.f32 v0, v39;
	v47 =	vld [tilespmem:s31+$0x90]  }
0x4d: {  	v48 =	vld [tilespmem:s24+$0x90]  }
0x4e: {  	[tilespmem:s25+$0xFFFFFF50] =	vst v0;
	v0 =	vadd.f32 v42, v2;
	v2 =	vld [tilespmem:s24+$0xFFFFFF20]  }
0x4f: {  	v51 =	vld [tilespmem:s31+$0xFFFFFF60]  }
0x50: {  	[tilespmem:s25+$0xFFFFFF90] =	vst v0;
	v0 =	vadd.f32 v8, v43;
	v8 =	vld [tilespmem:s24+$0xFFFFFF60]  }
0x51: {  	v52 =	vld [tilespmem:s31+$0xFFFFFFA0]  }
0x52: {  	v53 =	vld [tilespmem:s24+$0xFFFFFFA0];
	[tilespmem:s25+$0xFFFFFFD0] =	vst v0;
	v0 =	vadd.f32 v45, v44  }
0x53: {  	v54 =	vld [tilespmem:s31+$0xFFFFFFE0]  }
0x54: {  	[tilespmem:s25+$0x10] =	vst v0;
	v0 =	vadd.f32 v7, v46;
	v7 =	vld [tilespmem:s24+$0xFFFFFFE0]  }
0x55: {  	v2 =	vadd.f32 v2, v50;
	v55 =	vld [tilespmem:s31+$0x20]  }
0x56: {  	v56 =	vld [tilespmem:s24+$0x20]  }
0x57: {  	[tilespmem:s25+$0xFFFFFF20] =	vst v2;
	v2 =	vadd.f32 v8, v51;
	v8 =	vld [tilespmem:s24+$0xFFFFFEF0]  }
0x58: {  	v60 =	vld [tilespmem:s31+$0xFFFFFF30]  }
0x59: {  	[tilespmem:s25+$0x50] =	vst v0;
	v0 =	vadd.f32 v48, v47;
	v61 =	vld [tilespmem:s24+$0xFFFFFF30]  }
0x5a: {  	v57 =	vld [tilespmem:s31+$0x60];
	[tilespmem:s25+$0xFFFFFF60] =	vst v2  }
0x5b: {  	[tilespmem:s25+$0x90] =	vst v0;
	v0 =	vadd.f32 v4, v49;
	v4 =	vld [tilespmem:s24+$0x60]  }
0x5c: {  	v2 =	vadd.f32 v53, v52;
	v62 =	vld [tilespmem:s31+$0xFFFFFF70]  }
0x5d: {  	v58 =	vld [tilespmem:s31+$0xA0]  }
0x5e: {  	[tilespmem:s25+$0xFFFFFFA0] =	vst v2;
	v2 =	vadd.f32 v7, v54;
	v7 =	vld [tilespmem:s24+$0xFFFFFF70]  }
0x5f: {  	[tilespmem:s25+$0xD0] =	vst v0;
	v0 =	vld [tilespmem:s24+$0xA0]  }
0x60: {  	v6 =	vld [tilespmem:s31+$0xE0]  }
0x61: {  	v3 =	vld [tilespmem:s24+$0xE0]  }
0x62: {  	v1 =	vadd.f32 v5, v1;
	v5 =	vld [tilespmem:s31+$0xFFFFFFB0]  }
0x63: {  	v63 =	vld [tilespmem:s24+$0xFFFFFFB0];
	[tilespmem:s25+$0xFFFFFFE0] =	vst v2;
	v2 =	vadd.f32 v56, v55  }
0x64: {  	[tilespmem:s25+$0x130] =	vst v1;
	v1 =	vadd.f32 v4, v57;
	v4 =	vld [tilespmem:s31+$0xFFFFFFF0]  }
0x65: {  	[tilespmem:s25+$0x20] =	vst v2;
	v2 =	vld [tilespmem:s24+$0xFFFFFFF0];
	v0 =	vadd.f32 v0, v58  }
0x66: {  	[tilespmem:s25+$0x60] =	vst v1;
	v1 =	vadd.f32 v3, v6;
	v6 =	vld [tilespmem:s31+$0x30]  }
0x67: {  	v3 =	vadd.f32 v8, v59;
	v8 =	vld [tilespmem:s24+$0x30];
	[tilespmem:s25+$0xA0] =	vst v0  }
0x68: {  	v7 =	vadd.f32 v7, v62;
	v0 =	vld [tilespmem:s31+$0x70];
	[tilespmem:s25+$0xE0] =	vst v1  }
0x69: {  	v1 =	vadd.f32 v61, v60;
	[tilespmem:s25+$0xFFFFFEF0] =	vst v3;
	v3 =	vld [tilespmem:s24+$0x70]  }
0x6a: {  	v5 =	vadd.f32 v63, v5;
	[tilespmem:s25+$0xFFFFFF70] =	vst v7;
	v7 =	vadd.f32 v2, v4;
	v4 =	vld [tilespmem:s24+$0xB0]  }
0x6b: {  	[tilespmem:s25+$0xFFFFFF30] =	vst v1;
	v1 =	vld [tilespmem:s31+$0xB0]  }
0x6c: {  	[tilespmem:s25+$0xFFFFFFB0] =	vst v5;
	v2 =	vld [tilespmem:s31+$0xF0];
	v6 =	vadd.f32 v8, v6  }
0x6d: {  	s26 =	simm.s32 $0x0;
	s28 =	simm.s32 $0x4FC0;
	s23 =	sshll.u32 s22, $0x1;
	v5 =	vld [tilespmem:s24+$0xF0];
	[tilespmem:s25+$0xFFFFFFF0] =	vst v7  }
.LBB2_3:
0x6e: {  	v7 =	vld [tilespmem:s28+$0x100];
	[tilespmem:s25+$0x30] =	vst v6;
	v0 =	vadd.f32 v3, v0;
	s24 =	sadd.s32 $0x280, s24  }
0x6f: {  	v3 =	vld [tilespmem:s24+$0x100]  }
0x70: {  	v6 =	vld [tilespmem:s24+$0xFFFFFEC0];
	[tilespmem:s25+$0x70] =	vst v0;
	v0 =	vadd.f32 v4, v1  }
0x71: {  	v1 =	vld [tilespmem:s28+$0xFFFFFF00]  }
0x72: {  	s26 =	sadd.s32 $0xA, s26;
	v4 =	vld [tilespmem:s24+$0xFFFFFF00];
	[tilespmem:s25+$0xB0] =	vst v0;
	v0 =	vadd.f32 v5, v2  }
0x73: {  	p0 =	slt.u32 s26, $0x5A;
	v2 =	vld [tilespmem:s28+$0xFFFFFF40]  }
0x74: {  	v5 =	vld [tilespmem:s24+$0xFFFFFF40];
	v3 =	vadd.f32 v3, v7;
	[tilespmem:s25+$0xF0] =	vst v0  }
0x75: {  	s25 =	sadd.s32 $0x280, s25;
	v0 =	vld [tilespmem:s28+$0xFFFFFF80]  }
0x76: {  	v7 =	vld [tilespmem:s24+$0xFFFFFF80];
	[tilespmem:s25+$0x100] =	vst v3  }
0x77: {  	v1 =	vadd.f32 v4, v1;
	v3 =	vld [tilespmem:s28+$0x110]  }
0x78: {  	v4 =	vld [tilespmem:s24+$0x110]  }
0x79: {  	[tilespmem:s25+$0xFFFFFF00] =	vst v1;
	v1 =	vadd.f32 v5, v2;
	v2 =	vld [tilespmem:s28+$0xFFFFFFC0]  }
0x7a: {  	v5 =	vld [tilespmem:s24+$0xFFFFFFC0]  }
0x7b: {  	[tilespmem:s25+$0xFFFFFF40] =	vst v1;
	v0 =	vadd.f32 v7, v0;
	v1 =	vld [tilespmem:s28+$0x0]  }
0x7c: {  	v7 =	vld [tilespmem:s24+$0x0]  }
0x7d: {  	[tilespmem:s25+$0xFFFFFF80] =	vst v0;
	v0 =	vld [tilespmem:s28+$0x40];
	v3 =	vadd.f32 v4, v3  }
0x7e: {  	v4 =	vld [tilespmem:s24+$0x40]  }
0x7f: {  	v2 =	vadd.f32 v5, v2;
	v5 =	vld [tilespmem:s28+$0x80];
	[tilespmem:s25+$0x110] =	vst v3  }
0x80: {  	v3 =	vld [tilespmem:s28+$0x120]  }
0x81: {  	[tilespmem:s25+$0xFFFFFFC0] =	vst v2;
	v1 =	vadd.f32 v7, v1;
	v2 =	vld [tilespmem:s24+$0x120]  }
0x82: {  	v7 =	vld [tilespmem:s24+$0x80]  }
0x83: {  	[tilespmem:s25+$0x0] =	vst v1;
	v0 =	vadd.f32 v4, v0;
	v1 =	vld [tilespmem:s28+$0xC0]  }
0x84: {  	v4 =	vld [tilespmem:s24+$0xC0]  }
0x85: {  	v8 =	vld [tilespmem:s28+$0xFFFFFEC0];
	[tilespmem:s25+$0x40] =	vst v0  }
0x86: {  	v0 =	vld [tilespmem:s28+$0xFFFFFF10];
	v2 =	vadd.f32 v2, v3  }
0x87: {  	v3 =	vld [tilespmem:s24+$0xFFFFFF10];
	v5 =	vadd.f32 v7, v5  }
0x88: {  	v7 =	vld [tilespmem:s28+$0xFFFFFF50];
	[tilespmem:s25+$0x120] =	vst v2  }
0x89: {  	[tilespmem:s25+$0x80] =	vst v5;
	v1 =	vadd.f32 v4, v1;
	v2 =	vld [tilespmem:s28+$0x130]  }
0x8a: {  	v4 =	vadd.f32 v6, v8;
	v5 =	vld [tilespmem:s24+$0x130]  }
0x8b: {  	v6 =	vld [tilespmem:s24+$0xFFFFFF50];
	[tilespmem:s25+$0xC0] =	vst v1  }
0x8c: {  	[tilespmem:s25+$0xFFFFFEC0] =	vst v4;
	v0 =	vadd.f32 v3, v0;
	v1 =	vld [tilespmem:s28+$0xFFFFFF90]  }
0x8d: {  	v3 =	vld [tilespmem:s28+$0xFFFFFED0]  }
0x8e: {  	v4 =	vld [tilespmem:s24+$0xFFFFFED0];
	[tilespmem:s25+$0xFFFFFF10] =	vst v0  }
0x8f: {  	v0 =	vld [tilespmem:s24+$0xFFFFFF90];
	v2 =	vadd.f32 v5, v2  }
0x90: {  	v5 =	vadd.f32 v6, v7;
	v6 =	vld [tilespmem:s28+$0xFFFFFFD0]  }
0x91: {  	v7 =	vld [tilespmem:s24+$0xFFFFFFD0];
	[tilespmem:s25+$0x130] =	vst v2  }
0x92: {  	[tilespmem:s25+$0xFFFFFF50] =	vst v5;
	v2 =	vld [tilespmem:s28+$0x10]  }
0x93: {  	v3 =	vadd.f32 v4, v3;
	v4 =	vld [tilespmem:s24+$0x10]  }
0x94: {  	v0 =	vadd.f32 v0, v1;
	v1 =	vld [tilespmem:s28+$0x50]  }
0x95: {  	[tilespmem:s25+$0xFFFFFED0] =	vst v3;
	v3 =	vld [tilespmem:s24+$0x50]  }
0x96: {  	[tilespmem:s25+$0xFFFFFF90] =	vst v0;
	v0 =	vadd.f32 v7, v6;
	v5 =	vld [tilespmem:s28+$0x90]  }
0x97: {  	v6 =	vld [tilespmem:s24+$0x90]  }
0x98: {  	[tilespmem:s25+$0xFFFFFFD0] =	vst v0;
	v0 =	vadd.f32 v4, v2;
	v2 =	vld [tilespmem:s28+$0xD0]  }
0x99: {  	v4 =	vld [tilespmem:s24+$0xD0]  }
0x9a: {  	v7 =	vld [tilespmem:s28+$0xFFFFFEE0];
	[tilespmem:s25+$0x10] =	vst v0;
	v0 =	vadd.f32 v3, v1  }
0x9b: {  	v1 =	vld [tilespmem:s24+$0xFFFFFEE0]  }
0x9c: {  	v3 =	vld [tilespmem:s28+$0xFFFFFF20];
	[tilespmem:s25+$0x50] =	vst v0;
	v0 =	vadd.f32 v6, v5  }
0x9d: {  	v5 =	vld [tilespmem:s24+$0xFFFFFF20]  }
0x9e: {  	v6 =	vld [tilespmem:s28+$0xFFFFFF60];
	[tilespmem:s25+$0x90] =	vst v0;
	v0 =	vadd.f32 v4, v2  }
0x9f: {  	v2 =	vld [tilespmem:s24+$0xFFFFFF60]  }
0xa0: {  	v1 =	vadd.f32 v1, v7;
	v4 =	vld [tilespmem:s28+$0xFFFFFFA0];
	[tilespmem:s25+$0xD0] =	vst v0  }
0xa1: {  	v0 =	vld [tilespmem:s24+$0xFFFFFFA0]  }
0xa2: {  	[tilespmem:s25+$0xFFFFFEE0] =	vst v1;
	v1 =	vadd.f32 v5, v3;
	v3 =	vld [tilespmem:s28+$0xFFFFFFE0]  }
0xa3: {  	v5 =	vld [tilespmem:s24+$0xFFFFFFE0]  }
0xa4: {  	[tilespmem:s25+$0xFFFFFF20] =	vst v1;
	v1 =	vadd.f32 v2, v6;
	v2 =	vld [tilespmem:s28+$0x20]  }
0xa5: {  	v6 =	vld [tilespmem:s24+$0x20]  }
0xa6: {  	[tilespmem:s25+$0xFFFFFF60] =	vst v1;
	v0 =	vadd.f32 v0, v4;
	v1 =	vld [tilespmem:s28+$0x60]  }
0xa7: {  	v4 =	vld [tilespmem:s24+$0x60]  }
0xa8: {  	[tilespmem:s25+$0xFFFFFFA0] =	vst v0;
	v0 =	vadd.f32 v5, v3;
	v3 =	vld [tilespmem:s28+$0xA0]  }
0xa9: {  	v5 =	vld [tilespmem:s24+$0xA0]  }
0xaa: {  	[tilespmem:s25+$0xFFFFFFE0] =	vst v0;
	v0 =	vadd.f32 v6, v2;
	v2 =	vld [tilespmem:s28+$0xE0]  }
0xab: {  	v6 =	vld [tilespmem:s24+$0xE0]  }
0xac: {  	v7 =	vld [tilespmem:s28+$0xFFFFFEF0];
	[tilespmem:s25+$0x20] =	vst v0;
	v0 =	vadd.f32 v4, v1  }
0xad: {  	v1 =	vld [tilespmem:s24+$0xFFFFFEF0]  }
0xae: {  	v4 =	vld [tilespmem:s28+$0xFFFFFF30];
	[tilespmem:s25+$0x60] =	vst v0;
	v0 =	vadd.f32 v5, v3  }
0xaf: {  	v3 =	vld [tilespmem:s24+$0xFFFFFF30]  }
0xb0: {  	v5 =	vld [tilespmem:s28+$0xFFFFFF70];
	[tilespmem:s25+$0xA0] =	vst v0;
	v0 =	vadd.f32 v6, v2  }
0xb1: {  	v2 =	vld [tilespmem:s24+$0xFFFFFF70]  }
0xb2: {  	v1 =	vadd.f32 v1, v7;
	v6 =	vld [tilespmem:s28+$0xFFFFFFB0];
	[tilespmem:s25+$0xE0] =	vst v0  }
0xb3: {  	v0 =	vld [tilespmem:s24+$0xFFFFFFB0]  }
0xb4: {  	[tilespmem:s25+$0xFFFFFEF0] =	vst v1;
	v1 =	vadd.f32 v3, v4;
	v4 =	vld [tilespmem:s28+$0xFFFFFFF0]  }
0xb5: {  	v7 =	vld [tilespmem:s24+$0xFFFFFFF0]  }
0xb6: {  	[tilespmem:s25+$0xFFFFFF30] =	vst v1;
	v1 =	vadd.f32 v2, v5;
	v2 =	vld [tilespmem:s28+$0x30]  }
0xb7: {  	v5 =	vld [tilespmem:s24+$0x30]  }
0xb8: {  	[tilespmem:s25+$0xFFFFFF70] =	vst v1;
	v1 =	vadd.f32 v0, v6;
	v0 =	vld [tilespmem:s28+$0x70]  }
.Ltmp0:
0xb9: {  	v3 =	vld [tilespmem:s24+$0x70];
	(pc) =	sbr.rel @p0 .LBB2_3-.Ltmp0, $4  }
0xba: {  	[tilespmem:s25+$0xFFFFFFB0] =	vst v1;
	v6 =	vadd.f32 v7, v4;
	v1 =	vld [tilespmem:s28+$0xB0]  }
0xbb: {  	v4 =	vld [tilespmem:s24+$0xB0]  }
0xbc: {  	[tilespmem:s25+$0xFFFFFFF0] =	vst v6;
	v6 =	vadd.f32 v5, v2;
	v2 =	vld [tilespmem:s28+$0xF0]  }
0xbd: {  	s28 =	sadd.s32 $0x280, s28;
	v5 =	vld [tilespmem:s24+$0xF0]  }
0xbe: {  	_ =	sdelay $0x1  }
0xbf: {  	p0 =	seq.s32 s22, $0x1F;
	v0 =	vadd.f32 v3, v0  }
0xc0: {  	[tilespmem:s25+$0x30] =	vst v6;
	s24 =	smul.u32 @!p0 $0x340, s22;
	v1 =	vadd.f32 v4, v1  }
0xc1: {  	[tilespmem:s25+$0x70] =	vst v0;
	v0 =	vadd.f32 v5, v2  }
0xc2: {  	s28 =	sadd.s32 s3, s23;
	s29 =	simm.s32 @!p0 $0x4C00;
	s24 =	sshra.s32 @!p0 s24, $0x2;
	[tilespmem:s25+$0xB0] =	vst v1  }
0xc3: {  	s28 =	smul.u32 $0x320, s28;
	s26 =	sadd.s32 @!p0 $0xD0, s24;
	[tilespmem:s25+$0xF0] =	vst v0;
	s25 =	simm.s32 @!p0 $0x64  }
0xc4: {  	[tilespmem:s29], [sflag:$0x1] =	stream.indirect.gather @!p0 [hbm4b:s6+s25], $0x40, s26, s25, $0xb8;
	[tilespmem:$0xB000] =	vst v63  }
0xc5: {  	s31 =	sadd.s32 s2, s28  }
0xc6: {  	[hbm4b:s31+s4] =	stream.linear.scatter [tilespmem:s16], [sflag:$0x3], $0x1900, $0x38;
	[tilespmem:$0xB000] =	vst v63  }
0xc7: {  	_ =	swait.ge [sflag:s17], $0x1900  }
0xc8: {  	[sflag:s17] =	ssyncset.done $0x0  }
0xc9: {  	s25 =	simm.s32 @!p1 $0x4;
	[sflag:s17] =	ssyncadd.s32 $0xFFFFE700  }
0xca: {  	_ =	swait.ge @!p1 [sflag:s25], $0x1900  }
0xcb: {  	[sflag:s25] =	ssyncset.done @!p1 $0x0  }
0xcc: {  	s28 =	simm.s32 $0x6640;
	[sflag:s25] =	ssyncadd.s32 @!p1 $0xFFFFE700  }
0xcd: {  	s26 =	simm.s32 $0x3570;
	v0 =	vld [tilespmem:s28+$0x100]  }
0xce: {  	v1 =	vld [tilespmem:s26+$0xFFFFFFD0]  }
0xcf: {  	v2 =	vld [tilespmem:s26+$0xFFFFFD90]  }
0xd0: {  	v3 =	vld [tilespmem:s28+$0xFFFFFF00]  }
0xd1: {  	v4 =	vld [tilespmem:s26+$0xFFFFFDD0]  }
0xd2: {  	v5 =	vld [tilespmem:s28+$0xFFFFFF40]  }
0xd3: {  	v6 =	vld [tilespmem:s26+$0xFFFFFE10]  }
0xd4: {  	v7 =	vld [tilespmem:s26+$0xFFFFFE50]  }
0xd5: {  	v9 =	vld [tilespmem:s28+$0xFFFFFFC0]  }
0xd6: {  	v10 =	vld [tilespmem:s26+$0xFFFFFE90]  }
0xd7: {  	v11 =	vld [tilespmem:s28+$0x0]  }
0xd8: {  	v12 =	vld [tilespmem:s26+$0xFFFFFED0]  }
0xd9: {  	v13 =	vld [tilespmem:s28+$0x40];
	v0 =	vadd.f32 v1, v0  }
0xda: {  	s25 =	simm.s32 $0x9840;
	v14 =	vld [tilespmem:s28+$0x80];
	v3 =	vadd.f32 v4, v3  }
0xdb: {  	v16 =	vld [tilespmem:s26+$0xFFFFFF50];
	[tilespmem:s25+$0x100] =	vst v0  }
0xdc: {  	[tilespmem:s25+$0xFFFFFF00] =	vst v3;
	v3 =	vadd.f32 v6, v5;
	v5 =	vld [tilespmem:s28+$0xFFFFFEC0]  }
0xdd: {  	v0 =	vld [tilespmem:s28+$0x110]  }
0xde: {  	v8 =	vld [tilespmem:s26+$0xFFFFFFE0]  }
0xdf: {  	v17 =	vld [tilespmem:s26+$0xFFFFFF90]  }
0xe0: {  	v1 =	vld [tilespmem:s28+$0xFFFFFF80]  }
0xe1: {  	v4 =	vld [tilespmem:s28+$0xC0];
	v2 =	vadd.f32 v2, v5  }
0xe2: {  	v6 =	vld [tilespmem:s28+$0xFFFFFF10];
	[tilespmem:s25+$0xFFFFFF40] =	vst v3  }
0xe3: {  	v3 =	vld [tilespmem:s26+$0xFFFFFDE0];
	v0 =	vadd.f32 v8, v0;
	[tilespmem:s25+$0xFFFFFEC0] =	vst v2  }
0xe4: {  	v39 =	vld [tilespmem:s28+$0xFFFFFED0]  }
0xe5: {  	[tilespmem:s25+$0x110] =	vst v0;
	v40 =	vld [tilespmem:s26+$0xFFFFFDA0]  }
0xe6: {  	v0 =	vld [tilespmem:s28+$0x120]  }
0xe7: {  	v4 =	vadd.f32 v17, v4;
	v15 =	vld [tilespmem:s26+$0xFFFFFFF0]  }
0xe8: {  	v38 =	vld [tilespmem:s28+$0xFFFFFF50];
	v3 =	vadd.f32 v3, v6  }
0xe9: {  	[tilespmem:s25+$0xC0] =	vst v4;
	v8 =	vld [tilespmem:s26+$0xFFFFFF10]  }
0xea: {  	v48 =	vld [tilespmem:s28+$0xD0];
	[tilespmem:s25+$0xFFFFFF10] =	vst v3;
	v4 =	vadd.f32 v40, v39  }
0xeb: {  	v49 =	vld [tilespmem:s28+$0xFFFFFF20]  }
0xec: {  	v0 =	vadd.f32 v15, v0;
	[tilespmem:s25+$0xFFFFFED0] =	vst v4;
	v4 =	vld [tilespmem:s26+$0xFFFFFFA0]  }
0xed: {  	v6 =	vld [tilespmem:s28+$0xFFFFFEE0]  }
0xee: {  	[tilespmem:s25+$0x120] =	vst v0;
	v3 =	vld [tilespmem:s26+$0xFFFFFDB0]  }
0xef: {  	v0 =	vadd.f32 v7, v1;
	v1 =	vld [tilespmem:s28+$0x130]  }
0xf0: {  	v5 =	vld [tilespmem:s26+$0x0]  }
0xf1: {  	v7 =	vadd.f32 v10, v9;
	[tilespmem:s25+$0xFFFFFF80] =	vst v0;
	v0 =	vld [tilespmem:s26+$0xFFFFFE20]  }
0xf2: {  	v2 =	vld [tilespmem:s28+$0xFFFFFF90]  }
0xf3: {  	[tilespmem:s25+$0xFFFFFFC0] =	vst v7;
	v7 =	vadd.f32 v12, v11;
	v41 =	vld [tilespmem:s26+$0xFFFFFE60]  }
0xf4: {  	v42 =	vld [tilespmem:s28+$0xFFFFFFD0]  }
0xf5: {  	[tilespmem:s25+$0x0] =	vst v7;
	v7 =	vadd.f32 v8, v13;
	v8 =	vld [tilespmem:s26+$0xFFFFFEA0]  }
0xf6: {  	v43 =	vld [tilespmem:s28+$0x10];
	v3 =	vadd.f32 v3, v6  }
0xf7: {  	v44 =	vld [tilespmem:s26+$0xFFFFFEE0];
	[tilespmem:s25+$0x40] =	vst v7;
	v7 =	vadd.f32 v16, v14  }
0xf8: {  	v45 =	vld [tilespmem:s28+$0x50];
	[tilespmem:s25+$0xFFFFFEE0] =	vst v3  }
0xf9: {  	[tilespmem:s25+$0x80] =	vst v7;
	v7 =	vld [tilespmem:s26+$0xFFFFFF20]  }
0xfa: {  	v58 =	vld [tilespmem:s28+$0xFFFFFEF0]  }
0xfb: {  	v0 =	vadd.f32 v0, v38;
	v46 =	vld [tilespmem:s28+$0x90]  }
0xfc: {  	v47 =	vld [tilespmem:s26+$0xFFFFFF60]  }
0xfd: {  	[tilespmem:s25+$0xFFFFFF50] =	vst v0;
	v0 =	vadd.f32 v41, v2;
	v2 =	vld [tilespmem:s26+$0xFFFFFDF0]  }
0xfe: {  	v50 =	vld [tilespmem:s28+$0xFFFFFF60]  }
0xff: {  	[tilespmem:s25+$0xFFFFFF90] =	vst v0;
	v0 =	vadd.f32 v8, v42;
	v8 =	vld [tilespmem:s26+$0xFFFFFE30]  }
0x100: {  	v51 =	vld [tilespmem:s28+$0xFFFFFFA0]  }
0x101: {  	v52 =	vld [tilespmem:s26+$0xFFFFFE70];
	[tilespmem:s25+$0xFFFFFFD0] =	vst v0;
	v0 =	vadd.f32 v44, v43  }
0x102: {  	v53 =	vld [tilespmem:s28+$0xFFFFFFE0]  }
0x103: {  	[tilespmem:s25+$0x10] =	vst v0;
	v0 =	vadd.f32 v7, v45;
	v7 =	vld [tilespmem:s26+$0xFFFFFEB0]  }
0x104: {  	v2 =	vadd.f32 v2, v49;
	v54 =	vld [tilespmem:s28+$0x20]  }
0x105: {  	v55 =	vld [tilespmem:s26+$0xFFFFFEF0]  }
0x106: {  	[tilespmem:s25+$0xFFFFFF20] =	vst v2;
	v2 =	vadd.f32 v8, v50;
	v8 =	vld [tilespmem:s26+$0xFFFFFDC0]  }
0x107: {  	v59 =	vld [tilespmem:s28+$0xFFFFFF30]  }
0x108: {  	[tilespmem:s25+$0x50] =	vst v0;
	v0 =	vadd.f32 v47, v46;
	v60 =	vld [tilespmem:s26+$0xFFFFFE00]  }
0x109: {  	v56 =	vld [tilespmem:s28+$0x60];
	[tilespmem:s25+$0xFFFFFF60] =	vst v2  }
0x10a: {  	[tilespmem:s25+$0x90] =	vst v0;
	v0 =	vadd.f32 v4, v48;
	v4 =	vld [tilespmem:s26+$0xFFFFFF30]  }
0x10b: {  	v2 =	vadd.f32 v52, v51;
	v61 =	vld [tilespmem:s28+$0xFFFFFF70]  }
0x10c: {  	v57 =	vld [tilespmem:s28+$0xA0]  }
0x10d: {  	[tilespmem:s25+$0xFFFFFFA0] =	vst v2;
	v2 =	vadd.f32 v7, v53;
	v7 =	vld [tilespmem:s26+$0xFFFFFE40]  }
0x10e: {  	[tilespmem:s25+$0xD0] =	vst v0;
	v0 =	vld [tilespmem:s26+$0xFFFFFF70]  }
0x10f: {  	v1 =	vadd.f32 v5, v1;
	v5 =	vld [tilespmem:s28+$0xFFFFFFB0]  }
0x110: {  	v6 =	vld [tilespmem:s28+$0xE0]  }
0x111: {  	v3 =	vld [tilespmem:s26+$0xFFFFFFB0]  }
0x112: {  	v62 =	vld [tilespmem:s26+$0xFFFFFE80];
	[tilespmem:s25+$0xFFFFFFE0] =	vst v2;
	v2 =	vadd.f32 v55, v54  }
0x113: {  	[tilespmem:s25+$0x130] =	vst v1;
	v63 =	vld [tilespmem:s26+$0xFFFFFEC0];
	v1 =	vadd.f32 v4, v56  }
0x114: {  	v4 =	vld [tilespmem:s28+$0xFFFFFFF0];
	[tilespmem:s25+$0x20] =	vst v2;
	v2 =	vadd.f32 v8, v58  }
0x115: {  	v8 =	vld [tilespmem:s26+$0xFFFFFF00];
	v0 =	vadd.f32 v0, v57;
	[tilespmem:s25+$0x60] =	vst v1  }
0x116: {  	[tilespmem:s25+$0xFFFFFEF0] =	vst v2;
	v1 =	vadd.f32 v3, v6;
	v6 =	vld [tilespmem:s28+$0x30]  }
0x117: {  	v5 =	vadd.f32 v62, v5;
	v2 =	vld [tilespmem:s26+$0xFFFFFF40];
	[tilespmem:s25+$0xA0] =	vst v0  }
0x118: {  	v0 =	vld [tilespmem:s28+$0x70];
	[tilespmem:s25+$0xE0] =	vst v1;
	v1 =	vadd.f32 v60, v59  }
0x119: {  	v3 =	vadd.f32 v7, v61;
	[tilespmem:s25+$0xFFFFFFB0] =	vst v5;
	v7 =	vadd.f32 v63, v4;
	v4 =	vld [tilespmem:s26+$0xFFFFFF80]  }
0x11a: {  	[tilespmem:s25+$0xFFFFFF30] =	vst v1;
	v1 =	vld [tilespmem:s28+$0xB0]  }
0x11b: {  	[tilespmem:s25+$0xFFFFFF70] =	vst v3;
	v3 =	vld [tilespmem:s28+$0xF0];
	v6 =	vadd.f32 v8, v6  }
0x11c: {  	s23 =	sor.u32 $0x1, s23;
	s29 =	simm.s32 $0x68C0;
	v5 =	vld [tilespmem:s26+$0xFFFFFFC0];
	s28 =	simm.s32 $0x0;
	[tilespmem:s25+$0xFFFFFFF0] =	vst v7  }
.LBB2_5:
0x11d: {  	v7 =	vld [tilespmem:s29+$0x100];
	[tilespmem:s25+$0x30] =	vst v6;
	v0 =	vadd.f32 v2, v0;
	s26 =	sadd.s32 $0x280, s26  }
0x11e: {  	v2 =	vld [tilespmem:s26+$0xFFFFFFD0]  }
0x11f: {  	v6 =	vld [tilespmem:s26+$0xFFFFFD90];
	[tilespmem:s25+$0x70] =	vst v0;
	v0 =	vadd.f32 v4, v1  }
0x120: {  	v1 =	vld [tilespmem:s29+$0xFFFFFF00]  }
0x121: {  	s28 =	sadd.s32 $0xA, s28;
	v4 =	vld [tilespmem:s26+$0xFFFFFDD0];
	[tilespmem:s25+$0xB0] =	vst v0;
	v0 =	vadd.f32 v5, v3  }
0x122: {  	p1 =	slt.u32 s28, $0x5A;
	v3 =	vld [tilespmem:s29+$0xFFFFFF40]  }
0x123: {  	v5 =	vld [tilespmem:s26+$0xFFFFFE10];
	v2 =	vadd.f32 v2, v7;
	[tilespmem:s25+$0xF0] =	vst v0  }
0x124: {  	s25 =	sadd.s32 $0x280, s25;
	v0 =	vld [tilespmem:s29+$0xFFFFFF80]  }
0x125: {  	v7 =	vld [tilespmem:s26+$0xFFFFFE50];
	[tilespmem:s25+$0x100] =	vst v2  }
0x126: {  	v1 =	vadd.f32 v4, v1;
	v2 =	vld [tilespmem:s29+$0x110]  }
0x127: {  	v4 =	vld [tilespmem:s26+$0xFFFFFFE0]  }
0x128: {  	[tilespmem:s25+$0xFFFFFF00] =	vst v1;
	v1 =	vadd.f32 v5, v3;
	v3 =	vld [tilespmem:s29+$0xFFFFFFC0]  }
0x129: {  	v5 =	vld [tilespmem:s26+$0xFFFFFE90]  }
0x12a: {  	[tilespmem:s25+$0xFFFFFF40] =	vst v1;
	v0 =	vadd.f32 v7, v0;
	v1 =	vld [tilespmem:s29+$0x0]  }
0x12b: {  	v7 =	vld [tilespmem:s26+$0xFFFFFED0]  }
0x12c: {  	[tilespmem:s25+$0xFFFFFF80] =	vst v0;
	v0 =	vld [tilespmem:s29+$0x40];
	v2 =	vadd.f32 v4, v2  }
0x12d: {  	v4 =	vld [tilespmem:s26+$0xFFFFFF10]  }
0x12e: {  	v3 =	vadd.f32 v5, v3;
	v5 =	vld [tilespmem:s29+$0x80];
	[tilespmem:s25+$0x110] =	vst v2  }
0x12f: {  	v2 =	vld [tilespmem:s29+$0x120]  }
0x130: {  	[tilespmem:s25+$0xFFFFFFC0] =	vst v3;
	v1 =	vadd.f32 v7, v1;
	v3 =	vld [tilespmem:s26+$0xFFFFFFF0]  }
0x131: {  	v7 =	vld [tilespmem:s26+$0xFFFFFF50]  }
0x132: {  	[tilespmem:s25+$0x0] =	vst v1;
	v0 =	vadd.f32 v4, v0;
	v1 =	vld [tilespmem:s29+$0xC0]  }
0x133: {  	v4 =	vld [tilespmem:s26+$0xFFFFFF90]  }
0x134: {  	v8 =	vld [tilespmem:s29+$0xFFFFFEC0];
	[tilespmem:s25+$0x40] =	vst v0  }
0x135: {  	v0 =	vld [tilespmem:s29+$0xFFFFFF10];
	v2 =	vadd.f32 v3, v2  }
0x136: {  	v3 =	vld [tilespmem:s26+$0xFFFFFDE0];
	v5 =	vadd.f32 v7, v5  }
0x137: {  	v7 =	vld [tilespmem:s29+$0xFFFFFF50];
	[tilespmem:s25+$0x120] =	vst v2  }
0x138: {  	[tilespmem:s25+$0x80] =	vst v5;
	v1 =	vadd.f32 v4, v1;
	v2 =	vld [tilespmem:s29+$0x130]  }
0x139: {  	v4 =	vadd.f32 v6, v8;
	v5 =	vld [tilespmem:s26+$0x0]  }
0x13a: {  	v6 =	vld [tilespmem:s26+$0xFFFFFE20];
	[tilespmem:s25+$0xC0] =	vst v1  }
0x13b: {  	[tilespmem:s25+$0xFFFFFEC0] =	vst v4;
	v0 =	vadd.f32 v3, v0;
	v1 =	vld [tilespmem:s29+$0xFFFFFF90]  }
0x13c: {  	v3 =	vld [tilespmem:s29+$0xFFFFFED0]  }
0x13d: {  	v4 =	vld [tilespmem:s26+$0xFFFFFDA0];
	[tilespmem:s25+$0xFFFFFF10] =	vst v0  }
0x13e: {  	v0 =	vld [tilespmem:s26+$0xFFFFFE60];
	v2 =	vadd.f32 v5, v2  }
0x13f: {  	v5 =	vadd.f32 v6, v7;
	v6 =	vld [tilespmem:s29+$0xFFFFFFD0]  }
0x140: {  	v7 =	vld [tilespmem:s26+$0xFFFFFEA0];
	[tilespmem:s25+$0x130] =	vst v2  }
0x141: {  	[tilespmem:s25+$0xFFFFFF50] =	vst v5;
	v2 =	vld [tilespmem:s29+$0x10]  }
0x142: {  	v3 =	vadd.f32 v4, v3;
	v4 =	vld [tilespmem:s26+$0xFFFFFEE0]  }
0x143: {  	v0 =	vadd.f32 v0, v1;
	v1 =	vld [tilespmem:s29+$0x50]  }
0x144: {  	[tilespmem:s25+$0xFFFFFED0] =	vst v3;
	v3 =	vld [tilespmem:s26+$0xFFFFFF20]  }
0x145: {  	[tilespmem:s25+$0xFFFFFF90] =	vst v0;
	v0 =	vadd.f32 v7, v6;
	v5 =	vld [tilespmem:s29+$0x90]  }
0x146: {  	v6 =	vld [tilespmem:s26+$0xFFFFFF60]  }
0x147: {  	[tilespmem:s25+$0xFFFFFFD0] =	vst v0;
	v0 =	vadd.f32 v4, v2;
	v2 =	vld [tilespmem:s29+$0xD0]  }
0x148: {  	v4 =	vld [tilespmem:s26+$0xFFFFFFA0]  }
0x149: {  	v7 =	vld [tilespmem:s29+$0xFFFFFEE0];
	[tilespmem:s25+$0x10] =	vst v0;
	v0 =	vadd.f32 v3, v1  }
0x14a: {  	v1 =	vld [tilespmem:s26+$0xFFFFFDB0]  }
0x14b: {  	v3 =	vld [tilespmem:s29+$0xFFFFFF20];
	[tilespmem:s25+$0x50] =	vst v0;
	v0 =	vadd.f32 v6, v5  }
0x14c: {  	v5 =	vld [tilespmem:s26+$0xFFFFFDF0]  }
0x14d: {  	v6 =	vld [tilespmem:s29+$0xFFFFFF60];
	[tilespmem:s25+$0x90] =	vst v0;
	v0 =	vadd.f32 v4, v2  }
0x14e: {  	v2 =	vld [tilespmem:s26+$0xFFFFFE30]  }
0x14f: {  	v1 =	vadd.f32 v1, v7;
	v4 =	vld [tilespmem:s29+$0xFFFFFFA0];
	[tilespmem:s25+$0xD0] =	vst v0  }
0x150: {  	v0 =	vld [tilespmem:s26+$0xFFFFFE70]  }
0x151: {  	[tilespmem:s25+$0xFFFFFEE0] =	vst v1;
	v1 =	vadd.f32 v5, v3;
	v3 =	vld [tilespmem:s29+$0xFFFFFFE0]  }
0x152: {  	v5 =	vld [tilespmem:s26+$0xFFFFFEB0]  }
0x153: {  	[tilespmem:s25+$0xFFFFFF20] =	vst v1;
	v1 =	vadd.f32 v2, v6;
	v2 =	vld [tilespmem:s29+$0x20]  }
0x154: {  	v6 =	vld [tilespmem:s26+$0xFFFFFEF0]  }
0x155: {  	[tilespmem:s25+$0xFFFFFF60] =	vst v1;
	v0 =	vadd.f32 v0, v4;
	v1 =	vld [tilespmem:s29+$0x60]  }
0x156: {  	v4 =	vld [tilespmem:s26+$0xFFFFFF30]  }
0x157: {  	[tilespmem:s25+$0xFFFFFFA0] =	vst v0;
	v0 =	vadd.f32 v5, v3;
	v3 =	vld [tilespmem:s29+$0xA0]  }
0x158: {  	v5 =	vld [tilespmem:s26+$0xFFFFFF70]  }
0x159: {  	[tilespmem:s25+$0xFFFFFFE0] =	vst v0;
	v0 =	vadd.f32 v6, v2;
	v2 =	vld [tilespmem:s29+$0xE0]  }
0x15a: {  	v6 =	vld [tilespmem:s26+$0xFFFFFFB0]  }
0x15b: {  	v7 =	vld [tilespmem:s29+$0xFFFFFEF0];
	[tilespmem:s25+$0x20] =	vst v0;
	v0 =	vadd.f32 v4, v1  }
0x15c: {  	v1 =	vld [tilespmem:s26+$0xFFFFFDC0]  }
0x15d: {  	v4 =	vld [tilespmem:s29+$0xFFFFFF30];
	[tilespmem:s25+$0x60] =	vst v0;
	v0 =	vadd.f32 v5, v3  }
0x15e: {  	v3 =	vld [tilespmem:s26+$0xFFFFFE00]  }
0x15f: {  	v5 =	vld [tilespmem:s29+$0xFFFFFF70];
	[tilespmem:s25+$0xA0] =	vst v0;
	v0 =	vadd.f32 v6, v2  }
0x160: {  	v2 =	vld [tilespmem:s26+$0xFFFFFE40]  }
0x161: {  	v1 =	vadd.f32 v1, v7;
	v6 =	vld [tilespmem:s29+$0xFFFFFFB0];
	[tilespmem:s25+$0xE0] =	vst v0  }
0x162: {  	v0 =	vld [tilespmem:s26+$0xFFFFFE80]  }
0x163: {  	[tilespmem:s25+$0xFFFFFEF0] =	vst v1;
	v1 =	vadd.f32 v3, v4;
	v3 =	vld [tilespmem:s29+$0xFFFFFFF0]  }
0x164: {  	v4 =	vld [tilespmem:s26+$0xFFFFFEC0]  }
0x165: {  	[tilespmem:s25+$0xFFFFFF30] =	vst v1;
	v1 =	vadd.f32 v2, v5;
	v5 =	vld [tilespmem:s29+$0x30]  }
0x166: {  	v7 =	vld [tilespmem:s26+$0xFFFFFF00]  }
0x167: {  	[tilespmem:s25+$0xFFFFFF70] =	vst v1;
	v1 =	vadd.f32 v0, v6;
	v0 =	vld [tilespmem:s29+$0x70]  }
.Ltmp1:
0x168: {  	v2 =	vld [tilespmem:s26+$0xFFFFFF40];
	(pc) =	sbr.rel @p1 .LBB2_5-.Ltmp1, $4  }
0x169: {  	[tilespmem:s25+$0xFFFFFFB0] =	vst v1;
	v3 =	vadd.f32 v4, v3;
	v1 =	vld [tilespmem:s29+$0xB0]  }
0x16a: {  	v4 =	vld [tilespmem:s26+$0xFFFFFF80]  }
0x16b: {  	[tilespmem:s25+$0xFFFFFFF0] =	vst v3;
	v6 =	vadd.f32 v7, v5;
	v3 =	vld [tilespmem:s29+$0xF0]  }
0x16c: {  	s29 =	sadd.s32 $0x280, s29;
	v5 =	vld [tilespmem:s26+$0xFFFFFFC0]  }
0x16d: {  	_ =	sdelay $0x1  }
0x16e: {  	v0 =	vadd.f32 v2, v0  }
0x16f: {  	[tilespmem:s25+$0x30] =	vst v6;
	v1 =	vadd.f32 v4, v1  }
0x170: {  	[tilespmem:s25+$0x70] =	vst v0;
	v63 =	vadd.f32 v5, v3  }
0x171: {  	s24 =	sadd.s32 @!p0 $0x138, s24;
	[tilespmem:s25+$0xB0] =	vst v1  }
0x172: {  	s26 =	simm.s32 @!p0 $0x6500;
	s22 =	sadd.s32 $0x1, s22;
	[tilespmem:s25+$0xF0] =	vst v63;
	s25 =	simm.s32 @!p0 $0x64  }
0x173: {  	[tilespmem:s26], [sflag:$0x2] =	stream.indirect.gather @!p0 [hbm4b:s6+s25], $0x40, s24, s25, $0xb8;
	[tilespmem:$0xB000] =	vst v63  }
0x174: {  	p0 =	sne.s32 s22, $0x20  }
.Ltmp2:
0x175: {  	s23 =	sadd.s32 s3, s23;
	(pc) =	sbr.rel @p0 .LBB2_2-.Ltmp2, $3  }
0x176: {  	s23 =	smul.u32 $0x320, s23;
	_ =	sdelay $0x1  }
0x177: {  	s23 =	sadd.s32 s2, s23  }
0x178: {  	[hbm4b:s23+s4] =	stream.linear.scatter [tilespmem:s18], [sflag:$0x4], $0x1900, $0x38;
	[tilespmem:$0xB000] =	vst v63  }
0x179: {  	s21 =	sadd.s32 $0x1, s21  }
0x17a: {  	_ =	swait.ge [sflag:s19], $0x1900;
	p0 =	sne.s32 s21, s8  }
.Ltmp3:
0x17b: {  	[sflag:s19] =	ssyncset.done $0x0;
	(pc) =	sbr.rel @p0 .LBB2_1-.Ltmp3, $4  }
0x17c: {  	[sflag:s19] =	ssyncadd.s32 $0xFFFFE700  }
0x17d: {  	_ =	swait.ge [sflag:s20], $0x1900  }
0x17e: {  	[sflag:s20] =	ssyncset.done $0x0  }
0x17f: {  	[sflag:s20] =	ssyncadd.s32 $0xFFFFE700  }
0x180: {  	_ =	sfence.sel $0x180000  }
0x181: {  	[bflag:$0x0] =	sbarrier.arrive $0xFFFF  }
0x182: {  	p0 =	sne.s32 s0, $0x0;
	_ =	strace $0x90000047  }
0x183: {  	s0 =	sadd.s32 @!p0 $0x100000, s1;
	[bflag:$0x2] =	sbarrier.arrive $0xFFFF  }
0x184: {  	[sflag:s0] =	ssyncadd.tile.s32 @!p0 $0x1;
	_ =	shalt  }
.Lfunc_end2:
_tile_overlayer_lowered:
.L_overlay_start_2:
0x185: {  	(tag) =	ssettag $0x2  }
0x186: {  	s0 =	rddreg [dreg:$0x0];
	s2 =	stileid.u32  }
0x187: {  	s1 =	rddreg [dreg:$0x1];
	p0 =	sne.s32 s2, $0x0  }
0x188: {  	s3 =	rddreg [dreg:$0x2];
	[bflag:$0x3] =	sbarrier.arrive $0xFFFF;
	s2 =	simm.s32 @!p0 $0x1C05  }
0x189: {  	[timem:s3], [sflag:s2] =	dma.local @!p0 [hbm:s0], s1  }
0x18a: {  	s0 =	simm.s32 @!p0 $0x5  }
0x18b: {  	_ =	swait.ge @!p0 [sflag:s0], s1  }
0x18c: {  	s1 =	ssub.s32 @!p0 $0x0, s1;
	[sflag:s0] =	ssyncset.done @!p0 $0x0  }
0x18d: {  	[sflag:s0] =	ssyncadd.s32 @!p0 s1  }
0x18e: {  	[bflag:$0x3] =	sbarrier.arrive $0xFFFF  }
0x18f: {  	_ =	shalt  }

// kernel: sparse-core-data-format-call.cloned.1.call-start
scs
called_computation_lowered:
.L_overlay_start_0:
0x0: {  	s2 =	sld [smem:$0x3FD9]  }
0x1: {  	s3 =	sld [smem:$0x3FFE];
	_ =	sdelay $0x1  }
0x2: {  	s1 =	srdreg.scid  }
0x3: {  	s0 =	sand.u32 $0x1, s1  }
0x4: {  	s18 =	sshll.u32 s0, $0xA;
	s2 =	sadd.s32 s3, s2  }
0x5: {  	s2 =	sadd.s32 s2, s18  }
0x6: {  	[smem:$0x3FC6] =	sst s2  }
0x7: {  	_ = 	snop  }
0x8: {  	s2 =	sld [smem:$0x3FD0];
	(tm) =	ssettm $0x1  }
0x9: {  	s19 =	sld [smem:$0x3FFB];
	_ =	sdelay $0x3  }
0xa: {  	_ =	strace s19  }
0xb: {  	s3 =	sld [smem:$0x3FFC];
	_ =	sdelay $0x3  }
0xc: {  	_ =	strace s3  }
0xd: {  	s3 =	sld [smem:$0x3FFD];
	_ =	sdelay $0x3  }
0xe: {  	_ =	strace s3  }
0xf: {  	_ =	strace $0x8FFFFFFF  }
0x10: {  	s20 =	sld [smem:$0x3FDB];
	_ =	sdelay $0x1  }
0x11: {  	s4 =	simm.s32 $_scs_section_size  }
0x12: {  	s5 =	simm.s32 $_size__tile_overlayer_lowered;
	s6 =	simm.s32 $_tile_overlayer_lowered  }
0x13: {  	s23 =	simm.s32 $0x1BFF;
	s22 =	sshll.u32 s6, $0x1;
	s3 =	sadd.s32 s4, s20  }
0x14: {  	s7 =	simm.s32 $0x0;
	s21 =	sshll.u32 s5, $0x1;
	s5 =	sadd.s32 s22, s3  }
0x15: {  	[timem:s7], [sflag:s23] =	dma.local [hbm:s5], s21  }
0x16: {  	_ =	swait.ge [sflag:s23], s21  }
0x17: {  	s4 =	ssub.s32 $0x0, s21;
	[sflag:s23] =	ssyncset.done $0x0  }
0x18: {  	[sflag:s23] =	ssyncadd.s32 s4;
	_ =	sdelay $0x1  }
0x19: {  	s24 =	simm.s32 $0x1B8B  }
0x1a: {  	_ =	swait.ge [sflag:s24], $0x1  }
0x1b: {  	[sflag:s24] =	ssyncset.done $0x0  }
0x1c: {  	s26 =	simm.s32 $0x1B8E;
	s25 =	sld [smem:$0x3FFE];
	[sflag:s24] =	ssyncadd.s32 $0xFFFFFFFF  }
0x1d: {  	s27 =	simm.s32 $execute0_lowered;
	[smem:$0x3FD2] =	sst s26  }
0x1e: {  	s5 =	sshll.u32 s27, $0x1;
	_ =	strace $0x80000049;
	[dreg:$0x1] =	wrdreg $0xFFFFFFFF  }
0x1f: {  	s28 =	simm.s32 $_size_execute0_lowered;
	s3 =	sadd.s32 s3, s5;
	[dreg:$0x0] =	wrdreg $0x0  }
0x20: {  	s5 =	sshll.u32 s28, $0x1;
	[dreg:$0x2] =	wrdreg s3  }
0x21: {  	[dreg:$0x3] =	wrdreg s5  }
0x22: {  	[dreg:$0x4] =	wrdreg $0xC0  }
0x23: {  	_ =	task [dreg:s7], $0x5FFFF  }
0x24: {  	[dreg:$0x1] =	wrdreg $0xFFFFFFFF  }
0x25: {  	[dreg:$0x0] =	wrdreg $0x60  }
0x26: {  	[dreg:$0x2] =	wrdreg s25  }
0x27: {  	[dreg:$0x3] =	wrdreg s2  }
0x28: {  	[dreg:$0x4] =	wrdreg $0x9  }
0x29: {  	_ =	task.clear_ibuf [dreg:s7], $0x5FFFF;
	_ =	strace $0x90000049  }
0x2a: {  	s29 =	simm.s32 $0x9;
	_ =	strace $0x8000004B  }
0x2b: {  	_ =	swait.ge [sflag:s29], $0x1  }
0x2c: {  	[sflag:s29] =	ssyncadd.s32 $0xFFFFFFFF  }
0x2d: {  	_ =	strace $0x9000004B  }
0x2e: {  	_ =	sfence  }
0x2f: {  	s30 =	sld [smem:$0x0];
	_ =	sdelay $0x2  }
0x30: {  	s31 =	sshll.u32 s1, $0xD;
	s1 =	sshrl.u32 s1, $0x2  }
0x31: {  	s3 =	sand.u32 $0x4000, s31;
	s1 =	sadd.s32 s1, s30  }
0x32: {  	s0 =	sor.u32 s3, s0;
	s1 =	sshll.u32 s1, $0x11  }
0x33: {  	s0 =	sor.u32 s1, s0  }
0x34: {  	s0 =	sadd.s32 $0x8F2B, s0  }
0x35: {  	[sflag:s0] =	ssyncadd.remote.s32 $0x1  }
0x36: {  	_ =	sfence.sel $0xFFFF  }
0x37: {  	[dreg:$0x0] =	wrdreg $0xFFFFFFFF;
	(pc) =	sbr.abs _section_cstart, $3  }
0x38: {  	[dreg:$0x1] =	wrdreg $0xFFFFFFFF  }
0x39: {  	_ =	task.clear_ibuf [dreg:s7], $0x2FFFF;
	_ =	strace $0x9FFFFFFF  }
0x3a: {  	(tm) =	ssettm $0x7FFFFFFF  }
0x3b: {  	_ =	shalt  }
tec
execute0_lowered:
.L_overlay_start_1:
0x0: {  	(tag) =	ssettag $0x1  }
0x1: {  	s0 =	stileid.u32;
	s6 =	rddreg [dreg:$0x0]  }
0x2: {  	s2 =	rddreg [dreg:$0x1];
	s5 =	srdreg.scid  }
0x3: {  	s31 =	simm.s32 $0x2;
	s13 =	simm.s32 $0x0;
	s1 =	sshll.u32 s0, $0x7  }
0x4: {  	s14 =	simm.s32 $0x0;
	s12 =	simm.s32 $0x0;
	s3 =	sand.u32 $0x380, s1  }
0x5: {  	s5 =	sshll.u32 s5, $0x4;
	s6 =	sadd.s32 $0xC00, s6;
	s4 =	ssub.s32 $0x400, s3  }
0x6: {  	s1 =	rddreg [dreg:$0x2];
	_ =	strace $0x8000004A;
	s7 =	sand.u32 $0x380, s4  }
0x7: {  	s5 =	sand.u32 $0x10, s5;
	p0 =	sne.s32 s7, $0x0;
	s7 =	simm.s32 $0x1  }
.Ltmp0:
0x8: {  	s8 =	sshrl.u32 s4, $0xA;
	s7 =	simm.s32 @!p0 $0x0;
	(pc) =	sbr.rel .LBB1_1-.Ltmp0, $4  }
0x9: {  	s9 =	sor.u32 s0, s5;
	s4 =	simm.s32 $0x1;
	s30 =	sadd.s32 s7, s8  }
0xa: {  	s11 =	smov.u32 s3;
	[sflag:s4] =	ssyncpa.u1 $0x0;
	s5 =	smul.u32 $0x32, s30  }
0xb: {  	[sflag:s31] =	ssyncpa.u1 $0x0;
	p0 =	por $0x0, $0x0;
	s7 =	sshrl.u32 s9, $0x3  }
0xc: {  	s9 =	simm.s32 $0x2000;
	s10 =	smov.u32 s7;
	s8 =	sor.u32 $0x1, s5  }
.LBB1_4:
0xd: {  	s17 =	sand.u32 $0x1F80, s14;
	s13 =	sshll.u32 s13, $0xD  }
0xe: {  	[tilespmem:s16+$0x810 ss:$0x81] =	vst.msk $0xffff, v2;
	s18 =	sshrl.u32 s14, $0x3;
	s31 =	sand.u32 $0x7, s14;
	s17 =	sadd.s32 s2, s17  }
0xf: {  	[tilespmem:s16+$0x1020 ss:$0x81] =	vst.msk $0xffff, v0;
	s18 =	sand.u32 $0xF, s18;
	s14 =	sshll.u32 s31, $0x12;
	s13 =	sadd.s32 s13, s17  }
0x10: {  	[tilespmem:s16+$0x0 ss:$0x81] =	vst.msk $0xffff, v1;
	s14 =	sor.u32 $0x400, s14;
	s13 =	sadd.s32 s18, s13  }
0x11: {  	[hbm4b:s13+s14] =	stream.strided.scatter [tilespmem:s15], [sflag:$0x2], $0x2000, s9, s14, $0x20;
	[tilespmem:$0x8080] =	vst v63  }
.LBB1_5:
0x12: {  	s15 =	sadd.s32 $0x4, s10  }
0x13: {  	s13 =	sadd.s32 $0x400, s11;
	s17 =	smov.u32 s11;
	p2 =	sgt.s32 s15, $0xC7  }
0x14: {  	s17 =	smov.u32 @p2 s13  }
0x15: {  	s15 =	smov.u32 @p2 s7;
	p2 =	sgt.s32 s17, $0x3FF  }
0x16: {  	s17 =	smov.u32 @p2 s3;
	p2 =	sne.s32 s12, s8  }
.Ltmp1:
0x17: {  	p1 =	slt.u32 s12, $0x2;
	(pc) =	sbr.rel @!p2 .LBB1_6-.Ltmp1, $4  }
0x18: {  	s16 =	simm.s32 @!p1 $0x2  }
0x19: {  	s14 =	smov.u32 s11;
	p0 =	por !p0, !p0;
	_ =	swait.ge @!p1 [sflag:s16], $0x2000  }
0x1a: {  	s13 =	smov.u32 s10;
	[sflag:s16] =	ssyncset.done @!p1 $0x0;
	s10 =	smov.u32 s15  }
0x1b: {  	s12 =	sadd.s32 $0x1, s12;
	[sflag:s16] =	ssyncadd.s32 @!p1 $0xFFFFE000;
	s11 =	smov.u32 s17  }
.LBB1_1:
0x1c: {  	p1 =	sge.u32 s12, s5  }
0x1d: {  	s15 =	sand.u32 @!p1 $0x1FFFFFF, s10  }
0x1e: {  	s16 =	smulhi.u32 @!p1 $0x147AE15, s15;
	_ =	sdelay $0x1  }
0x1f: {  	s16 =	smul.u32 @!p1 $0xC8, s16  }
0x20: {  	s17 =	sxor.u32 @!p1 $0xFFFFFFFF, s12;
	s18 =	smul.u32 @!p1 $0xC80, s11  }
0x21: {  	s31 =	sadd.s32 $0xFFFFFFFF, s12;
	s17 =	sshll.u32 @!p1 s17, $0xD;
	s15 =	ssub.s32 @!p1 s15, s16  }
0x22: {  	s16 =	sand.u32 @!p1 $0x2000, s17;
	s17 =	sadd.s32 @!p1 s6, s18;
	s15 =	sshll.u32 @!p1 s15, $0x4  }
0x23: {  	s18 =	simm.s32 @!p1 $0x6400;
	s15 =	sadd.s32 @!p1 s15, s17;
	s17 =	simm.s32 @!p1 $0x40  }
0x24: {  	[tilespmem:s16], [sflag:$0x1] =	stream.strided.gather @!p1 [hbm4b:s15+s17], $0x2000, s18, s17, $0x38;
	[tilespmem:$0x8080] =	vst v63  }
0x25: {  	p1 =	sge.u32 s31, s5  }
.Ltmp2:
0x26: {  	_ = 	snop;
	(pc) =	sbr.rel @p1 .LBB1_5-.Ltmp2, $1  }
0x27: {  	_ =	sdelay $0x3  }
0x28: {  	s15 =	simm.s32 $0x1  }
0x29: {  	_ =	swait.ge [sflag:s4], $0x2000;
	s15 =	simm.s32 @!p0 $0x0  }
0x2a: {  	[sflag:s4] =	ssyncset.done $0x0;
	s16 =	sshll.u32 s15, $0xD  }
0x2b: {  	[sflag:s4] =	ssyncadd.s32 $0xFFFFE000;
	s19 =	sor.u32 $0x20, s16  }
0x2c: {  	s15 =	smul.u32 $0x8100, s15;
	v3 =	vld [tilespmem:s19+$0x10]  }
0x2d: {  	s30 =	sand.u32 $0x1, s12;
	v2 =	vld [tilespmem:s19+$0xFFFFFFF0]  }
0x2e: {  	s16 =	smul.u32 $0x8100, s30;
	s15 =	sshrl.u32 s15, $0x2;
	v0 =	vld [tilespmem:s19+$0x0]  }
0x2f: {  	v1 =	vld [tilespmem:s19+$0xFFFFFFE0];
	s17 =	sor.u32 $0x4000, s15  }
0x30: {  	s31 =	sshrl.u32 s16, $0x2;
	s16 =	sadd.s32 $0x0, s17  }
0x31: {  	s18 =	simm.s32 $0x4;
	s19 =	sadd.s32 $0x40, s19;
	s15 =	sor.u32 $0x4000, s31;
	[tilespmem:s16+$0x1830 ss:$0x81] =	vst.msk $0xffff, v3  }
.LBB1_3:
0x32: {  	v3 =	vld [tilespmem:s19+$0x10];
	p1 =	sne.s32 s18, $0x1FC;
	[tilespmem:s16+$0x810 ss:$0x81] =	vst.msk $0xffff, v2;
	s20 =	smov.u32 s18;
	s18 =	sadd.s32 $0x4, s18  }
.Ltmp3:
0x33: {  	v2 =	vld [tilespmem:s19+$0xFFFFFFF0];
	[tilespmem:s16+$0x1020 ss:$0x81] =	vst.msk $0xffff, v0;
	(pc) =	sbr.rel @p1 .LBB1_3-.Ltmp3, $4  }
0x34: {  	v0 =	vld [tilespmem:s19+$0x0];
	[tilespmem:s16+$0x0 ss:$0x81] =	vst.msk $0xffff, v1  }
0x35: {  	s16 =	sshra.s32 s20, $0x2;
	v1 =	vld [tilespmem:s19+$0xFFFFFFE0]  }
0x36: {  	s16 =	sadd.s32 s16, s17  }
0x37: {  	s19 =	sadd.s32 $0x40, s19;
	[tilespmem:s16+$0x1830 ss:$0x81] =	vst.msk $0xffff, v3  }
.Ltmp4:
0x38: {  	_ = 	snop;
	(pc) =	sbr.rel .LBB1_4-.Ltmp4, $1  }
0x39: {  	_ =	sdelay $0x3  }
.LBB1_6:
0x3a: {  	_ =	sfence.sel $0x180000  }
0x3b: {  	s2 =	simm.s32 $0x1;
	[bflag:$0x0] =	sbarrier.arrive $0xFFFF  }
0x3c: {  	s31 =	simm.s32 $0x2;
	[sflag:s2] =	ssyncpa.u1 $0x1  }
0x3d: {  	[sflag:s31] =	ssyncpa.u1 $0x1  }
0x3e: {  	p0 =	sne.s32 s0, $0x0;
	_ =	strace $0x9000004A  }
0x3f: {  	s0 =	sadd.s32 @!p0 $0x100000, s1;
	[bflag:$0x2] =	sbarrier.arrive $0xFFFF  }
0x40: {  	[sflag:s0] =	ssyncadd.tile.s32 @!p0 $0x1;
	_ =	shalt  }
.Lfunc_end1:
_tile_overlayer_lowered:
.L_overlay_start_2:
0x41: {  	(tag) =	ssettag $0x2  }
0x42: {  	s0 =	rddreg [dreg:$0x0];
	s2 =	stileid.u32  }
0x43: {  	s1 =	rddreg [dreg:$0x1];
	p0 =	sne.s32 s2, $0x0  }
0x44: {  	s3 =	rddreg [dreg:$0x2];
	[bflag:$0x3] =	sbarrier.arrive $0xFFFF;
	s2 =	simm.s32 @!p0 $0x1C01  }
0x45: {  	[timem:s3], [sflag:s2] =	dma.local @!p0 [hbm:s0], s1  }
0x46: {  	s0 =	simm.s32 @!p0 $0x1  }
0x47: {  	_ =	swait.ge @!p0 [sflag:s0], s1  }
0x48: {  	s1 =	ssub.s32 @!p0 $0x0, s1;
	[sflag:s0] =	ssyncset.done @!p0 $0x0  }
0x49: {  	[sflag:s0] =	ssyncadd.s32 @!p0 s1  }
0x4a: {  	[bflag:$0x3] =	sbarrier.arrive $0xFFFF  }
0x4b: {  	_ =	shalt  }

</sc_bundles>
